<compile_context>
chip_gen: v7x
topology: tpu7x:2x2x1
jax: 0.10.2.dev20260603
libtpu: 0.0.44.dev20260713+nightly
codegen_flags: <defaults>
</compile_context>

<pallas_src>
import functools

import jax
import jax.numpy as jnp
from jax import lax
from jax.experimental import pallas as pl
from jax.experimental.pallas import tpu as pltpu
from jax.experimental.pallas import tpu_sc as plsc

_CHUNK = 128
_KBUF = 7
_HB = 16


def _transform_body(c, before_ref, after_ref, w1_ref, b1_ref, w2_ref, b2_ref, f_ref):
    cs, hb, w = before_ref.shape[1:]
    x = before_ref[0].reshape(cs, hb * w)
    y = after_ref[0].reshape(cs, hb * w)
    xy = jnp.concatenate([x, y], axis=0)
    w2 = w2_ref[...]
    ab = jnp.dot(w1_ref[...], w2, preferred_element_type=jnp.float32)
    bias = jnp.dot(b1_ref[...], w2, preferred_element_type=jnp.float32) + b2_ref[...]
    part = lax.dot_general(xy, ab, (((0,), (0,)), ((), ())),
                           preferred_element_type=jnp.float32)
    out3 = part.reshape(hb * w // 8, 8, 16)
    packed = jnp.concatenate([out3[:, s, :] for s in range(8)], axis=1)
    f_ref[...] = packed + jnp.concatenate([bias] * 8)[None, :]


def _transform(before, after, w1, b1, w2, b2):
    b, c, h, w = before.shape
    tb = _HB * w
    grid = (b, h // _HB)
    return pl.pallas_call(
        functools.partial(_transform_body, c),
        grid=grid,
        in_specs=[
            pl.BlockSpec((1, c, _HB, w), lambda i, j: (i, 0, j, 0)),
            pl.BlockSpec((1, c, _HB, w), lambda i, j: (i, 0, j, 0)),
            pl.BlockSpec((2 * c, 32), lambda i, j: (0, 0)),
            pl.BlockSpec((32,), lambda i, j: (0,)),
            pl.BlockSpec((32, 16), lambda i, j: (0, 0)),
            pl.BlockSpec((16,), lambda i, j: (0,)),
        ],
        out_specs=pl.BlockSpec((tb // 8, 128), lambda i, j: (i * (h // _HB) + j, 0)),
        out_shape=jax.ShapeDtypeStruct((b * h * w // 8, 128), jnp.float32),
    )(before, after, w1, b1, w2, b2)


def _make_gather(total, n_per_batch, hw, w, nbatch):
    info = plsc.get_sparse_core_info()
    nw = info.num_cores * info.num_subcores
    cpw = -(-total // (nw * _CHUNK)) * _CHUNK
    nchunk = cpw // _CHUNK
    npair = -(-nchunk // (2 * _KBUF))
    nchunk = npair * 2 * _KBUF
    cpw = nchunk * _CHUNK
    mesh = plsc.VectorSubcoreMesh(core_axis_name="c", subcore_axis_name="s")

    @functools.partial(
        pl.kernel,
        mesh=mesh,
        compiler_params=pltpu.CompilerParams(use_tc_tiling_on_sc=False),
        out_type=jax.ShapeDtypeStruct((total, 16), jnp.float32),
        scratch_types=[
            pltpu.VMEM((cpw,), jnp.int32),
            pltpu.VMEM((cpw,), jnp.int32),
            pltpu.VMEM((nchunk, _CHUNK), jnp.int32),
            pltpu.VMEM((_KBUF, _CHUNK, 16), jnp.float32),
            pltpu.VMEM((_KBUF, _CHUNK, 16), jnp.float32),
            pltpu.SemaphoreType.DMA,
            pltpu.SemaphoreType.DMA,
        ],
    )
    def gather_kernel(f_hbm, y_hbm, x_hbm, out_hbm, y_v, x_v, idx_v, r_a, r_b, s_a, s_b):
        wid = lax.axis_index("s") * info.num_cores + lax.axis_index("c")
        base = lax.min(wid * cpw, total - cpw)
        pltpu.sync_copy(y_hbm.at[pl.ds(base, cpw)], y_v)
        pltpu.sync_copy(x_hbm.at[pl.ds(base, cpw)], x_v)

        lanes = lax.iota(jnp.int32, 16)
        nvec = jnp.full((16,), n_per_batch, jnp.int32)
        bmax = jnp.full((16,), nbatch - 1, jnp.int32)

        def chunk_idx_body(j, _):
            def lane_body(g, _):
                off = j * _CHUNK + g * 16
                yy = y_v[pl.ds(off, 16)]
                xx = x_v[pl.ds(off, 16)]
                pos = base + off + lanes
                bidx = lax.min(lax.div(pos, nvec), bmax)
                idx_v[j, pl.ds(g * 16, 16)] = bidx * hw + yy * w + xx
                return 0
            lax.fori_loop(0, _CHUNK // 16, lane_body, 0)
            return 0

        lax.fori_loop(0, nchunk, chunk_idx_body, 0)

        def fire(grp, rbuf, sem):
            for kb in range(_KBUF):
                pltpu.async_copy(f_hbm.at[idx_v.at[grp * _KBUF + kb]], rbuf.at[kb], sem)

        def drain_store(grp, rbuf, sem):
            for kb in range(_KBUF):
                chunk = grp * _KBUF + kb
                pltpu.make_async_copy(f_hbm.at[idx_v.at[chunk]], rbuf.at[kb], sem).wait()
                pltpu.sync_copy(rbuf.at[kb], out_hbm.at[pl.ds(base + chunk * _CHUNK, _CHUNK)])

        fire(0, r_a, s_a)

        def pair_body(t, _):
            g0 = 2 * t
            fire(g0 + 1, r_b, s_b)
            drain_store(g0, r_a, s_a)

            @pl.when(g0 + 2 < nchunk // _KBUF)
            def _():
                fire(g0 + 2, r_a, s_a)

            drain_store(g0 + 1, r_b, s_b)
            return 0

        lax.fori_loop(0, npair, pair_body, 0)

    return gather_kernel


def kernel(before_pseudoimages, after_pseudoimages, points, voxel_coords, W1, b1, W2, b2):
    b, c, h, w = before_pseudoimages.shape
    n = voxel_coords.shape[1]
    hw = h * w

    w2p = jnp.zeros((W2.shape[0], 16), jnp.float32).at[:, : W2.shape[1]].set(W2)
    b2p = jnp.zeros((16,), jnp.float32).at[: b2.shape[0]].set(b2)
    f = _transform(before_pseudoimages, after_pseudoimages, W1, b1, w2p, b2p)
    f = f.reshape(b * hw, 16)

    total = b * n
    yf = voxel_coords[:, :, 1].reshape(-1).astype(jnp.int32)
    xf = voxel_coords[:, :, 2].reshape(-1).astype(jnp.int32)

    gathered = _make_gather(total, n, hw, w, b)(f, yf, xf)
    return gathered[:, :3].reshape(b, n, 3)

# --- scband reference (transcript-rebuilt; emitter-appended) ---
"""Pipeline reference for scband-fast-flow-decoder-28913719836683 (READ-ONLY COPY).

The authoritative reference and input builder live on the scoring server;
editing this copy changes nothing except your own understanding.
"""

import jax, jax.numpy as jnp
import numpy as np

B, C, H, W, N = 4, 64, 512, 512, 100000

def setup_inputs(seed: int = 0) -> dict:
    key = jax.random.key(seed)
    ks = jax.random.split(key, 6)
    before_pseudoimages = jax.random.normal(ks[0], (B, C, H, W), dtype=jnp.float32)
    after_pseudoimages = jax.random.normal(ks[1], (B, C, H, W), dtype=jnp.float32)
    points = jax.random.normal(ks[2], (B, N, 3), dtype=jnp.float32)
    yx = jax.random.randint(ks[3], (B, N, 2), 0, H)
    voxel_coords = jnp.concatenate([jnp.zeros((B, N, 1), dtype=yx.dtype), yx], axis=-1)
    # decoder params: Linear(128, 32) then Linear(32, 3)
    W1 = jax.random.normal(ks[4], (2 * C, 32), dtype=jnp.float32) * 0.05
    b1 = jnp.zeros((32,), dtype=jnp.float32)
    W2 = jax.random.normal(ks[5], (32, 3), dtype=jnp.float32) * 0.05
    b2 = jnp.zeros((3,), dtype=jnp.float32)
    return {"before_pseudoimages": before_pseudoimages, "after_pseudoimages": after_pseudoimages, "points": points, "voxel_coords": voxel_coords, "W1": W1, "b1": b1, "W2": W2, "b2": b2}

def reference(before_pseudoimages, after_pseudoimages, points, voxel_coords, W1, b1, W2, b2):
    # Faithful translation of FastFlowDecoder.forward: loop over batch, gather
    # per-point voxel vectors from before/after pseudoimages, concat, MLP decode.
    flows = []
    for b in range(before_pseudoimages.shape[0]):
        vc = voxel_coords[b]
        # assert (vc[:, 0] == 0).all() in original; z index unused for gather
        after_voxel_vectors = after_pseudoimages[b][:, vc[:, 1], vc[:, 2]].T   # [N, C]
        before_voxel_vectors = before_pseudoimages[b][:, vc[:, 1], vc[:, 2]].T  # [N, C]
        concatenated = jnp.concatenate([before_voxel_vectors, after_voxel_vectors], axis=1)  # [N, 2C]
        h = concatenated @ W1 + b1
        flow = h @ W2 + b2
        flows.append(flow)
    return jnp.stack(flows, axis=0)  # [B, N, 3] (original returns list of [N, 3])

if __name__ == "__main__":
    import jax
    _d = setup_inputs()
    print(jax.jit(kernel)(*tuple(_d.values())))

</pallas_src>

<mosaic_0001>
#map = affine_map<(d0, d1) -> (0, 0)>
#map1 = affine_map<(d0, d1) -> (0)>
module attributes {stable_mosaic.version = 14 : i64} {
  func.func @gather_kernel(%arg0: i32, %arg1: i32, %arg2: memref<1048576x16xf32, #tpu.memory_space<hbm>>, %arg3: memref<400000xi32, #tpu.memory_space<hbm>>, %arg4: memref<400000xi32, #tpu.memory_space<hbm>>, %arg5: memref<400000x16xf32, #tpu.memory_space<hbm>>, %arg6: memref<12544xi32, #tpu.memory_space<vmem>>, %arg7: memref<12544xi32, #tpu.memory_space<vmem>>, %arg8: memref<98x128xi32, #tpu.memory_space<vmem>>, %arg9: memref<7x128x16xf32, #tpu.memory_space<vmem>>, %arg10: memref<7x128x16xf32, #tpu.memory_space<vmem>>, %arg11: memref<!tpu.dma_semaphore, #tpu.memory_space<semaphore_mem>>, %arg12: memref<!tpu.dma_semaphore, #tpu.memory_space<semaphore_mem>>) attributes {dimension_semantics = [#tpu.dimension_semantics<core_parallel>, #tpu.dimension_semantics<subcore_parallel>], iteration_bounds = array<i64: 2, 16>, scalar_prefetch = 0 : i64, scratch_operands = 7 : i64, tpu.core_type = #tpu.core_type<sc_vector_subcore>, window_params = [{transform_indices = #map}, {transform_indices = #map1}, {transform_indices = #map1}, {transform_indices = #map}]} {
    %mul3A = arith.constant 2 : i32
    %mul3A_0 = arith.muli %arg1, %mul3A : i32
    %add3A = arith.addi %mul3A_0, %arg0 : i32
    %mul3A_1 = arith.constant 12544 : i32
    %mul3A_2 = arith.muli %add3A, %mul3A_1 : i32
    %min3A = arith.constant 387456 : i32
    %min3A_3 = arith.minsi %mul3A_2, %min3A : i32
    "tpu.region"() ({
      %run_scoped3A = tpu.sem_alloc : memref<!tpu.dma_semaphore, #tpu.memory_space<semaphore_mem>>
      %dma_start3A_103 = tpu.memref_slice %arg3[%min3A_3] : memref<400000xi32, #tpu.memory_space<hbm>> -> memref<12544xi32, #tpu.memory_space<hbm>>
      %dma_start3A_104 = tpu.memref_slice %arg3[%min3A_3] : memref<400000xi32, #tpu.memory_space<hbm>> -> memref<12544xi32, #tpu.memory_space<hbm>>
      tpu.enqueue_dma source(%dma_start3A_104 : memref<12544xi32, #tpu.memory_space<hbm>>) target(%arg6 : memref<12544xi32, #tpu.memory_space<vmem>>) target_semaphore(%run_scoped3A : memref<!tpu.dma_semaphore, #tpu.memory_space<semaphore_mem>>)
      %dma_wait3A = tpu.memref_slice %arg3[%min3A_3] : memref<400000xi32, #tpu.memory_space<hbm>> -> memref<12544xi32, #tpu.memory_space<hbm>>
      %dma_wait3A_105 = tpu.memref_slice %arg3[%min3A_3] : memref<400000xi32, #tpu.memory_space<hbm>> -> memref<12544xi32, #tpu.memory_space<hbm>>
      tpu.wait_dma2 semaphore(%run_scoped3A : memref<!tpu.dma_semaphore, #tpu.memory_space<semaphore_mem>>) src(%dma_wait3A_105 : memref<12544xi32, #tpu.memory_space<hbm>>) dst(%arg6 : memref<12544xi32, #tpu.memory_space<vmem>>)
      tpu.yield
    }) : () -> ()
    "tpu.region"() ({
      %run_scoped3A = tpu.sem_alloc : memref<!tpu.dma_semaphore, #tpu.memory_space<semaphore_mem>>
      %dma_start3A_103 = tpu.memref_slice %arg4[%min3A_3] : memref<400000xi32, #tpu.memory_space<hbm>> -> memref<12544xi32, #tpu.memory_space<hbm>>
      %dma_start3A_104 = tpu.memref_slice %arg4[%min3A_3] : memref<400000xi32, #tpu.memory_space<hbm>> -> memref<12544xi32, #tpu.memory_space<hbm>>
      tpu.enqueue_dma source(%dma_start3A_104 : memref<12544xi32, #tpu.memory_space<hbm>>) target(%arg7 : memref<12544xi32, #tpu.memory_space<vmem>>) target_semaphore(%run_scoped3A : memref<!tpu.dma_semaphore, #tpu.memory_space<semaphore_mem>>)
      %dma_wait3A = tpu.memref_slice %arg4[%min3A_3] : memref<400000xi32, #tpu.memory_space<hbm>> -> memref<12544xi32, #tpu.memory_space<hbm>>
      %dma_wait3A_105 = tpu.memref_slice %arg4[%min3A_3] : memref<400000xi32, #tpu.memory_space<hbm>> -> memref<12544xi32, #tpu.memory_space<hbm>>
      tpu.wait_dma2 semaphore(%run_scoped3A : memref<!tpu.dma_semaphore, #tpu.memory_space<semaphore_mem>>) src(%dma_wait3A_105 : memref<12544xi32, #tpu.memory_space<hbm>>) dst(%arg7 : memref<12544xi32, #tpu.memory_space<vmem>>)
      tpu.yield
    }) : () -> ()
    %iota3A = tpu.iota {dimensions = array<i32: 0>} : vector<16xi32>
    %broadcast_in_dim3A = arith.constant 100000 : i32
    %broadcast_in_dim3A_4 = vector.broadcast %broadcast_in_dim3A : i32 to vector<16xi32>
    %broadcast_in_dim3A_5 = arith.constant 3 : i32
    %broadcast_in_dim3A_6 = vector.broadcast %broadcast_in_dim3A_5 : i32 to vector<16xi32>
    %scan3A = arith.constant 0 : i32
    %scan3A_7 = arith.constant 0 : i32
    %scan3A_8 = arith.constant 98 : i32
    %scan3A_9 = arith.addi %scan3A_7, %scan3A_8 : i32
    %scan3A_10 = arith.constant 1 : i32
    %scan3A_11 = scf.for %scan3A_103 = %scan3A_7 to %scan3A_9 step %scan3A_10 iter_args(%scan3A_104 = %scan3A) -> (i32)  : i32 {
      %scan3A_105 = arith.constant 0 : i32
      %scan3A_106 = arith.constant 0 : i32
      %scan3A_107 = arith.constant 8 : i32
      %scan3A_108 = arith.addi %scan3A_106, %scan3A_107 : i32
      %scan3A_109 = arith.constant 1 : i32
      %scan3A_110 = scf.for %scan3A_113 = %scan3A_106 to %scan3A_108 step %scan3A_109 iter_args(%scan3A_114 = %scan3A_105) -> (i32)  : i32 {
        %mul3A_115 = arith.constant 128 : i32
        %mul3A_116 = arith.muli %scan3A_103, %mul3A_115 : i32
        %mul3A_117 = arith.constant 16 : i32
        %mul3A_118 = arith.muli %scan3A_113, %mul3A_117 : i32
        %add3A_119 = arith.addi %mul3A_116, %mul3A_118 : i32
        %get3A = arith.index_cast %add3A_119 : i32 to index
        %get3A_120 = tpu.vector_load %arg6[%get3A] {strides = array<i32>} : memref<12544xi32, #tpu.memory_space<vmem>>, vector<16xi32>,
        %get3A_121 = vector.shape_cast %get3A_120 : vector<16xi32> to vector<16xi32>
        %get3A_122 = arith.index_cast %add3A_119 : i32 to index
        %get3A_123 = tpu.vector_load %arg7[%get3A_122] {strides = array<i32>} : memref<12544xi32, #tpu.memory_space<vmem>>, vector<16xi32>,
        %get3A_124 = vector.shape_cast %get3A_123 : vector<16xi32> to vector<16xi32>
        %add3A_125 = arith.addi %min3A_3, %add3A_119 : i32
        %add3A_126 = vector.broadcast %add3A_125 : i32 to vector<16xi32>
        %add3A_127 = arith.addi %add3A_126, %iota3A : vector<16xi32>
        %div3A = arith.divsi %add3A_127, %broadcast_in_dim3A_4 : vector<16xi32>
        %min3A_128 = arith.minsi %div3A, %broadcast_in_dim3A_6 : vector<16xi32>
        %mul3A_129 = arith.constant 262144 : i32
        %mul3A_130 = vector.broadcast %mul3A_129 : i32 to vector<16xi32>
        %mul3A_131 = arith.muli %min3A_128, %mul3A_130 : vector<16xi32>
        %mul3A_132 = arith.constant 512 : i32
        %mul3A_133 = vector.broadcast %mul3A_132 : i32 to vector<16xi32>
        %mul3A_134 = arith.muli %get3A_121, %mul3A_133 : vector<16xi32>
        %add3A_135 = arith.addi %mul3A_131, %mul3A_134 : vector<16xi32>
        %add3A_136 = arith.addi %add3A_135, %get3A_124 : vector<16xi32>
        %mul3A_137 = arith.constant 16 : i32
        %mul3A_138 = arith.muli %scan3A_113, %mul3A_137 : i32
        %swap3A = arith.index_cast %scan3A_103 : i32 to index
        %swap3A_139 = arith.index_cast %mul3A_138 : i32 to index
        %swap3A_140 = tpu.vector_load %arg8[%swap3A, %swap3A_139] {strides = array<i32>} : memref<98x128xi32, #tpu.memory_space<vmem>>, vector<1x16xi32>,
        %swap3A_141 = vector.shape_cast %swap3A_140 : vector<1x16xi32> to vector<16xi32>
        %swap3A_142 = vector.shape_cast %add3A_136 : vector<16xi32> to vector<1x16xi32>
        tpu.vector_store %arg8[%swap3A, %swap3A_139], %swap3A_142 {strides = array<i32>} : memref<98x128xi32, #tpu.memory_space<vmem>>, vector<1x16xi32>,
        %scan3A_143 = arith.constant 0 : i32
        scf.yield %scan3A_143 : i32
      }
      %scan3A_111 = arith.constant 8 : i32
      %scan3A_112 = arith.constant 0 : i32
      scf.yield %scan3A_112 : i32
    }
    %scan3A_12 = arith.constant 98 : i32
    %dma_start3A = arith.constant 0 : i32
    %dma_start3A_13 = arith.constant 0 : i32
    %dma_start3A_14 = arith.constant 0 : i32
    %dma_start3A_15 = arith.constant 0 : i32
    %dma_start3A_16 = tpu.memref_slice %arg9[%dma_start3A_13, %dma_start3A_14, %dma_start3A_15] : memref<7x128x16xf32, #tpu.memory_space<vmem>> -> memref<1x128x16xf32, #tpu.memory_space<vmem>>
    %dma_start3A_17 = tpu.memref_squeeze %dma_start3A_16 : memref<1x128x16xf32, #tpu.memory_space<vmem>> -> memref<128x16xf32, #tpu.memory_space<vmem>>
    %dma_start3A_18 = arith.constant 0 : i32
    %dma_start3A_19 = tpu.memref_slice %arg8[%dma_start3A, %dma_start3A_18] : memref<98x128xi32, #tpu.memory_space<vmem>> -> memref<1x128xi32, #tpu.memory_space<vmem>>
    %dma_start3A_20 = tpu.memref_squeeze %dma_start3A_19 : memref<1x128xi32, #tpu.memory_space<vmem>> -> memref<128xi32, #tpu.memory_space<vmem>>
    %dma_start3A_21 = arith.constant 0 : i32
    %dma_start3A_22 = arith.constant 0 : i32
    %dma_start3A_23 = tpu.memref_slice %arg2[%dma_start3A_21, %dma_start3A_22] : memref<1048576x16xf32, #tpu.memory_space<hbm>> -> memref<1048576x16xf32, #tpu.memory_space<hbm>>
    tpu.enqueue_indirect_dma source(%dma_start3A_23 : memref<1048576x16xf32, #tpu.memory_space<hbm>>) target(%dma_start3A_17 : memref<128x16xf32, #tpu.memory_space<vmem>>) offsets(%dma_start3A_20 : memref<128xi32, #tpu.memory_space<vmem>>) semaphore(%arg11 : memref<!tpu.dma_semaphore, #tpu.memory_space<semaphore_mem>>)
    %dma_start3A_24 = arith.constant 1 : i32
    %dma_start3A_25 = arith.constant 1 : i32
    %dma_start3A_26 = arith.constant 0 : i32
    %dma_start3A_27 = arith.constant 0 : i32
    %dma_start3A_28 = tpu.memref_slice %arg9[%dma_start3A_25, %dma_start3A_26, %dma_start3A_27] : memref<7x128x16xf32, #tpu.memory_space<vmem>> -> memref<1x128x16xf32, #tpu.memory_space<vmem>>
    %dma_start3A_29 = tpu.memref_squeeze %dma_start3A_28 : memref<1x128x16xf32, #tpu.memory_space<vmem>> -> memref<128x16xf32, #tpu.memory_space<vmem>>
    %dma_start3A_30 = arith.constant 0 : i32
    %dma_start3A_31 = tpu.memref_slice %arg8[%dma_start3A_24, %dma_start3A_30] : memref<98x128xi32, #tpu.memory_space<vmem>> -> memref<1x128xi32, #tpu.memory_space<vmem>>
    %dma_start3A_32 = tpu.memref_squeeze %dma_start3A_31 : memref<1x128xi32, #tpu.memory_space<vmem>> -> memref<128xi32, #tpu.memory_space<vmem>>
    %dma_start3A_33 = arith.constant 0 : i32
    %dma_start3A_34 = arith.constant 0 : i32
    %dma_start3A_35 = tpu.memref_slice %arg2[%dma_start3A_33, %dma_start3A_34] : memref<1048576x16xf32, #tpu.memory_space<hbm>> -> memref<1048576x16xf32, #tpu.memory_space<hbm>>
    tpu.enqueue_indirect_dma source(%dma_start3A_35 : memref<1048576x16xf32, #tpu.memory_space<hbm>>) target(%dma_start3A_29 : memref<128x16xf32, #tpu.memory_space<vmem>>) offsets(%dma_start3A_32 : memref<128xi32, #tpu.memory_space<vmem>>) semaphore(%arg11 : memref<!tpu.dma_semaphore, #tpu.memory_space<semaphore_mem>>)
    %dma_start3A_36 = arith.constant 2 : i32
    %dma_start3A_37 = arith.constant 2 : i32
    %dma_start3A_38 = arith.constant 0 : i32
    %dma_start3A_39 = arith.constant 0 : i32
    %dma_start3A_40 = tpu.memref_slice %arg9[%dma_start3A_37, %dma_start3A_38, %dma_start3A_39] : memref<7x128x16xf32, #tpu.memory_space<vmem>> -> memref<1x128x16xf32, #tpu.memory_space<vmem>>
    %dma_start3A_41 = tpu.memref_squeeze %dma_start3A_40 : memref<1x128x16xf32, #tpu.memory_space<vmem>> -> memref<128x16xf32, #tpu.memory_space<vmem>>
    %dma_start3A_42 = arith.constant 0 : i32
    %dma_start3A_43 = tpu.memref_slice %arg8[%dma_start3A_36, %dma_start3A_42] : memref<98x128xi32, #tpu.memory_space<vmem>> -> memref<1x128xi32, #tpu.memory_space<vmem>>
    %dma_start3A_44 = tpu.memref_squeeze %dma_start3A_43 : memref<1x128xi32, #tpu.memory_space<vmem>> -> memref<128xi32, #tpu.memory_space<vmem>>
    %dma_start3A_45 = arith.constant 0 : i32
    %dma_start3A_46 = arith.constant 0 : i32
    %dma_start3A_47 = tpu.memref_slice %arg2[%dma_start3A_45, %dma_start3A_46] : memref<1048576x16xf32, #tpu.memory_space<hbm>> -> memref<1048576x16xf32, #tpu.memory_space<hbm>>
    tpu.enqueue_indirect_dma source(%dma_start3A_47 : memref<1048576x16xf32, #tpu.memory_space<hbm>>) target(%dma_start3A_41 : memref<128x16xf32, #tpu.memory_space<vmem>>) offsets(%dma_start3A_44 : memref<128xi32, #tpu.memory_space<vmem>>) semaphore(%arg11 : memref<!tpu.dma_semaphore, #tpu.memory_space<semaphore_mem>>)
    %dma_start3A_48 = arith.constant 3 : i32
    %dma_start3A_49 = arith.constant 3 : i32
    %dma_start3A_50 = arith.constant 0 : i32
    %dma_start3A_51 = arith.constant 0 : i32
    %dma_start3A_52 = tpu.memref_slice %arg9[%dma_start3A_49, %dma_start3A_50, %dma_start3A_51] : memref<7x128x16xf32, #tpu.memory_space<vmem>> -> memref<1x128x16xf32, #tpu.memory_space<vmem>>
    %dma_start3A_53 = tpu.memref_squeeze %dma_start3A_52 : memref<1x128x16xf32, #tpu.memory_space<vmem>> -> memref<128x16xf32, #tpu.memory_space<vmem>>
    %dma_start3A_54 = arith.constant 0 : i32
    %dma_start3A_55 = tpu.memref_slice %arg8[%dma_start3A_48, %dma_start3A_54] : memref<98x128xi32, #tpu.memory_space<vmem>> -> memref<1x128xi32, #tpu.memory_space<vmem>>
    %dma_start3A_56 = tpu.memref_squeeze %dma_start3A_55 : memref<1x128xi32, #tpu.memory_space<vmem>> -> memref<128xi32, #tpu.memory_space<vmem>>
    %dma_start3A_57 = arith.constant 0 : i32
    %dma_start3A_58 = arith.constant 0 : i32
    %dma_start3A_59 = tpu.memref_slice %arg2[%dma_start3A_57, %dma_start3A_58] : memref<1048576x16xf32, #tpu.memory_space<hbm>> -> memref<1048576x16xf32, #tpu.memory_space<hbm>>
    tpu.enqueue_indirect_dma source(%dma_start3A_59 : memref<1048576x16xf32, #tpu.memory_space<hbm>>) target(%dma_start3A_53 : memref<128x16xf32, #tpu.memory_space<vmem>>) offsets(%dma_start3A_56 : memref<128xi32, #tpu.memory_space<vmem>>) semaphore(%arg11 : memref<!tpu.dma_semaphore, #tpu.memory_space<semaphore_mem>>)
    %dma_start3A_60 = arith.constant 4 : i32
    %dma_start3A_61 = arith.constant 4 : i32
    %dma_start3A_62 = arith.constant 0 : i32
    %dma_start3A_63 = arith.constant 0 : i32
    %dma_start3A_64 = tpu.memref_slice %arg9[%dma_start3A_61, %dma_start3A_62, %dma_start3A_63] : memref<7x128x16xf32, #tpu.memory_space<vmem>> -> memref<1x128x16xf32, #tpu.memory_space<vmem>>
    %dma_start3A_65 = tpu.memref_squeeze %dma_start3A_64 : memref<1x128x16xf32, #tpu.memory_space<vmem>> -> memref<128x16xf32, #tpu.memory_space<vmem>>
    %dma_start3A_66 = arith.constant 0 : i32
    %dma_start3A_67 = tpu.memref_slice %arg8[%dma_start3A_60, %dma_start3A_66] : memref<98x128xi32, #tpu.memory_space<vmem>> -> memref<1x128xi32, #tpu.memory_space<vmem>>
    %dma_start3A_68 = tpu.memref_squeeze %dma_start3A_67 : memref<1x128xi32, #tpu.memory_space<vmem>> -> memref<128xi32, #tpu.memory_space<vmem>>
    %dma_start3A_69 = arith.constant 0 : i32
    %dma_start3A_70 = arith.constant 0 : i32
    %dma_start3A_71 = tpu.memref_slice %arg2[%dma_start3A_69, %dma_start3A_70] : memref<1048576x16xf32, #tpu.memory_space<hbm>> -> memref<1048576x16xf32, #tpu.memory_space<hbm>>
    tpu.enqueue_indirect_dma source(%dma_start3A_71 : memref<1048576x16xf32, #tpu.memory_space<hbm>>) target(%dma_start3A_65 : memref<128x16xf32, #tpu.memory_space<vmem>>) offsets(%dma_start3A_68 : memref<128xi32, #tpu.memory_space<vmem>>) semaphore(%arg11 : memref<!tpu.dma_semaphore, #tpu.memory_space<semaphore_mem>>)
    %dma_start3A_72 = arith.constant 5 : i32
    %dma_start3A_73 = arith.constant 5 : i32
    %dma_start3A_74 = arith.constant 0 : i32
    %dma_start3A_75 = arith.constant 0 : i32
    %dma_start3A_76 = tpu.memref_slice %arg9[%dma_start3A_73, %dma_start3A_74, %dma_start3A_75] : memref<7x128x16xf32, #tpu.memory_space<vmem>> -> memref<1x128x16xf32, #tpu.memory_space<vmem>>
    %dma_start3A_77 = tpu.memref_squeeze %dma_start3A_76 : memref<1x128x16xf32, #tpu.memory_space<vmem>> -> memref<128x16xf32, #tpu.memory_space<vmem>>
    %dma_start3A_78 = arith.constant 0 : i32
    %dma_start3A_79 = tpu.memref_slice %arg8[%dma_start3A_72, %dma_start3A_78] : memref<98x128xi32, #tpu.memory_space<vmem>> -> memref<1x128xi32, #tpu.memory_space<vmem>>
    %dma_start3A_80 = tpu.memref_squeeze %dma_start3A_79 : memref<1x128xi32, #tpu.memory_space<vmem>> -> memref<128xi32, #tpu.memory_space<vmem>>
    %dma_start3A_81 = arith.constant 0 : i32
    %dma_start3A_82 = arith.constant 0 : i32
    %dma_start3A_83 = tpu.memref_slice %arg2[%dma_start3A_81, %dma_start3A_82] : memref<1048576x16xf32, #tpu.memory_space<hbm>> -> memref<1048576x16xf32, #tpu.memory_space<hbm>>
    tpu.enqueue_indirect_dma source(%dma_start3A_83 : memref<1048576x16xf32, #tpu.memory_space<hbm>>) target(%dma_start3A_77 : memref<128x16xf32, #tpu.memory_space<vmem>>) offsets(%dma_start3A_80 : memref<128xi32, #tpu.memory_space<vmem>>) semaphore(%arg11 : memref<!tpu.dma_semaphore, #tpu.memory_space<semaphore_mem>>)
    %dma_start3A_84 = arith.constant 6 : i32
    %dma_start3A_85 = arith.constant 6 : i32
    %dma_start3A_86 = arith.constant 0 : i32
    %dma_start3A_87 = arith.constant 0 : i32
    %dma_start3A_88 = tpu.memref_slice %arg9[%dma_start3A_85, %dma_start3A_86, %dma_start3A_87] : memref<7x128x16xf32, #tpu.memory_space<vmem>> -> memref<1x128x16xf32, #tpu.memory_space<vmem>>
    %dma_start3A_89 = tpu.memref_squeeze %dma_start3A_88 : memref<1x128x16xf32, #tpu.memory_space<vmem>> -> memref<128x16xf32, #tpu.memory_space<vmem>>
    %dma_start3A_90 = arith.constant 0 : i32
    %dma_start3A_91 = tpu.memref_slice %arg8[%dma_start3A_84, %dma_start3A_90] : memref<98x128xi32, #tpu.memory_space<vmem>> -> memref<1x128xi32, #tpu.memory_space<vmem>>
    %dma_start3A_92 = tpu.memref_squeeze %dma_start3A_91 : memref<1x128xi32, #tpu.memory_space<vmem>> -> memref<128xi32, #tpu.memory_space<vmem>>
    %dma_start3A_93 = arith.constant 0 : i32
    %dma_start3A_94 = arith.constant 0 : i32
    %dma_start3A_95 = tpu.memref_slice %arg2[%dma_start3A_93, %dma_start3A_94] : memref<1048576x16xf32, #tpu.memory_space<hbm>> -> memref<1048576x16xf32, #tpu.memory_space<hbm>>
    tpu.enqueue_indirect_dma source(%dma_start3A_95 : memref<1048576x16xf32, #tpu.memory_space<hbm>>) target(%dma_start3A_89 : memref<128x16xf32, #tpu.memory_space<vmem>>) offsets(%dma_start3A_92 : memref<128xi32, #tpu.memory_space<vmem>>) semaphore(%arg11 : memref<!tpu.dma_semaphore, #tpu.memory_space<semaphore_mem>>)
    %scan3A_96 = arith.constant 0 : i32
    %scan3A_97 = arith.constant 0 : i32
    %scan3A_98 = arith.constant 7 : i32
    %scan3A_99 = arith.addi %scan3A_97, %scan3A_98 : i32
    %scan3A_100 = arith.constant 1 : i32
    %scan3A_101 = scf.for %scan3A_103 = %scan3A_97 to %scan3A_99 step %scan3A_100 iter_args(%scan3A_104 = %scan3A_96) -> (i32)  : i32 {
      %mul3A_105 = arith.constant 2 : i32
      %mul3A_106 = arith.muli %mul3A_105, %scan3A_103 : i32
      %add3A_107 = arith.constant 1 : i32
      %add3A_108 = arith.addi %mul3A_106, %add3A_107 : i32
      %mul3A_109 = arith.constant 7 : i32
      %mul3A_110 = arith.muli %add3A_108, %mul3A_109 : i32
      %add3A_111 = arith.constant 0 : i32
      %add3A_112 = arith.addi %mul3A_110, %add3A_111 : i32
      %dma_start3A_113 = arith.constant 0 : i32
      %dma_start3A_114 = arith.constant 0 : i32
      %dma_start3A_115 = arith.constant 0 : i32
      %dma_start3A_116 = tpu.memref_slice %arg10[%dma_start3A_113, %dma_start3A_114, %dma_start3A_115] : memref<7x128x16xf32, #tpu.memory_space<vmem>> -> memref<1x128x16xf32, #tpu.memory_space<vmem>>
      %dma_start3A_117 = tpu.memref_squeeze %dma_start3A_116 : memref<1x128x16xf32, #tpu.memory_space<vmem>> -> memref<128x16xf32, #tpu.memory_space<vmem>>
      %dma_start3A_118 = arith.constant 0 : i32
      %dma_start3A_119 = tpu.memref_slice %arg8[%add3A_112, %dma_start3A_118] : memref<98x128xi32, #tpu.memory_space<vmem>> -> memref<1x128xi32, #tpu.memory_space<vmem>>
      %dma_start3A_120 = tpu.memref_squeeze %dma_start3A_119 : memref<1x128xi32, #tpu.memory_space<vmem>> -> memref<128xi32, #tpu.memory_space<vmem>>
      %dma_start3A_121 = arith.constant 0 : i32
      %dma_start3A_122 = arith.constant 0 : i32
      %dma_start3A_123 = tpu.memref_slice %arg2[%dma_start3A_121, %dma_start3A_122] : memref<1048576x16xf32, #tpu.memory_space<hbm>> -> memref<1048576x16xf32, #tpu.memory_space<hbm>>
      tpu.enqueue_indirect_dma source(%dma_start3A_123 : memref<1048576x16xf32, #tpu.memory_space<hbm>>) target(%dma_start3A_117 : memref<128x16xf32, #tpu.memory_space<vmem>>) offsets(%dma_start3A_120 : memref<128xi32, #tpu.memory_space<vmem>>) semaphore(%arg12 : memref<!tpu.dma_semaphore, #tpu.memory_space<semaphore_mem>>)
      %mul3A_124 = arith.constant 7 : i32
      %mul3A_125 = arith.muli %add3A_108, %mul3A_124 : i32
      %add3A_126 = arith.constant 1 : i32
      %add3A_127 = arith.addi %mul3A_125, %add3A_126 : i32
      %dma_start3A_128 = arith.constant 1 : i32
      %dma_start3A_129 = arith.constant 0 : i32
      %dma_start3A_130 = arith.constant 0 : i32
      %dma_start3A_131 = tpu.memref_slice %arg10[%dma_start3A_128, %dma_start3A_129, %dma_start3A_130] : memref<7x128x16xf32, #tpu.memory_space<vmem>> -> memref<1x128x16xf32, #tpu.memory_space<vmem>>
      %dma_start3A_132 = tpu.memref_squeeze %dma_start3A_131 : memref<1x128x16xf32, #tpu.memory_space<vmem>> -> memref<128x16xf32, #tpu.memory_space<vmem>>
      %dma_start3A_133 = arith.constant 0 : i32
      %dma_start3A_134 = tpu.memref_slice %arg8[%add3A_127, %dma_start3A_133] : memref<98x128xi32, #tpu.memory_space<vmem>> -> memref<1x128xi32, #tpu.memory_space<vmem>>
      %dma_start3A_135 = tpu.memref_squeeze %dma_start3A_134 : memref<1x128xi32, #tpu.memory_space<vmem>> -> memref<128xi32, #tpu.memory_space<vmem>>
      %dma_start3A_136 = arith.constant 0 : i32
      %dma_start3A_137 = arith.constant 0 : i32
      %dma_start3A_138 = tpu.memref_slice %arg2[%dma_start3A_136, %dma_start3A_137] : memref<1048576x16xf32, #tpu.memory_space<hbm>> -> memref<1048576x16xf32, #tpu.memory_space<hbm>>
      tpu.enqueue_indirect_dma source(%dma_start3A_138 : memref<1048576x16xf32, #tpu.memory_space<hbm>>) target(%dma_start3A_132 : memref<128x16xf32, #tpu.memory_space<vmem>>) offsets(%dma_start3A_135 : memref<128xi32, #tpu.memory_space<vmem>>) semaphore(%arg12 : memref<!tpu.dma_semaphore, #tpu.memory_space<semaphore_mem>>)
      %mul3A_139 = arith.constant 7 : i32
      %mul3A_140 = arith.muli %add3A_108, %mul3A_139 : i32
      %add3A_141 = arith.constant 2 : i32
      %add3A_142 = arith.addi %mul3A_140, %add3A_141 : i32
      %dma_start3A_143 = arith.constant 2 : i32
      %dma_start3A_144 = arith.constant 0 : i32
      %dma_start3A_145 = arith.constant 0 : i32
      %dma_start3A_146 = tpu.memref_slice %arg10[%dma_start3A_143, %dma_start3A_144, %dma_start3A_145] : memref<7x128x16xf32, #tpu.memory_space<vmem>> -> memref<1x128x16xf32, #tpu.memory_space<vmem>>
      %dma_start3A_147 = tpu.memref_squeeze %dma_start3A_146 : memref<1x128x16xf32, #tpu.memory_space<vmem>> -> memref<128x16xf32, #tpu.memory_space<vmem>>
      %dma_start3A_148 = arith.constant 0 : i32
      %dma_start3A_149 = tpu.memref_slice %arg8[%add3A_142, %dma_start3A_148] : memref<98x128xi32, #tpu.memory_space<vmem>> -> memref<1x128xi32, #tpu.memory_space<vmem>>
      %dma_start3A_150 = tpu.memref_squeeze %dma_start3A_149 : memref<1x128xi32, #tpu.memory_space<vmem>> -> memref<128xi32, #tpu.memory_space<vmem>>
      %dma_start3A_151 = arith.constant 0 : i32
      %dma_start3A_152 = arith.constant 0 : i32
      %dma_start3A_153 = tpu.memref_slice %arg2[%dma_start3A_151, %dma_start3A_152] : memref<1048576x16xf32, #tpu.memory_space<hbm>> -> memref<1048576x16xf32, #tpu.memory_space<hbm>>
      tpu.enqueue_indirect_dma source(%dma_start3A_153 : memref<1048576x16xf32, #tpu.memory_space<hbm>>) target(%dma_start3A_147 : memref<128x16xf32, #tpu.memory_space<vmem>>) offsets(%dma_start3A_150 : memref<128xi32, #tpu.memory_space<vmem>>) semaphore(%arg12 : memref<!tpu.dma_semaphore, #tpu.memory_space<semaphore_mem>>)
      %mul3A_154 = arith.constant 7 : i32
      %mul3A_155 = arith.muli %add3A_108, %mul3A_154 : i32
      %add3A_156 = arith.constant 3 : i32
      %add3A_157 = arith.addi %mul3A_155, %add3A_156 : i32
      %dma_start3A_158 = arith.constant 3 : i32
      %dma_start3A_159 = arith.constant 0 : i32
      %dma_start3A_160 = arith.constant 0 : i32
      %dma_start3A_161 = tpu.memref_slice %arg10[%dma_start3A_158, %dma_start3A_159, %dma_start3A_160] : memref<7x128x16xf32, #tpu.memory_space<vmem>> -> memref<1x128x16xf32, #tpu.memory_space<vmem>>
      %dma_start3A_162 = tpu.memref_squeeze %dma_start3A_161 : memref<1x128x16xf32, #tpu.memory_space<vmem>> -> memref<128x16xf32, #tpu.memory_space<vmem>>
      %dma_start3A_163 = arith.constant 0 : i32
      %dma_start3A_164 = tpu.memref_slice %arg8[%add3A_157, %dma_start3A_163] : memref<98x128xi32, #tpu.memory_space<vmem>> -> memref<1x128xi32, #tpu.memory_space<vmem>>
      %dma_start3A_165 = tpu.memref_squeeze %dma_start3A_164 : memref<1x128xi32, #tpu.memory_space<vmem>> -> memref<128xi32, #tpu.memory_space<vmem>>
      %dma_start3A_166 = arith.constant 0 : i32
      %dma_start3A_167 = arith.constant 0 : i32
      %dma_start3A_168 = tpu.memref_slice %arg2[%dma_start3A_166, %dma_start3A_167] : memref<1048576x16xf32, #tpu.memory_space<hbm>> -> memref<1048576x16xf32, #tpu.memory_space<hbm>>
      tpu.enqueue_indirect_dma source(%dma_start3A_168 : memref<1048576x16xf32, #tpu.memory_space<hbm>>) target(%dma_start3A_162 : memref<128x16xf32, #tpu.memory_space<vmem>>) offsets(%dma_start3A_165 : memref<128xi32, #tpu.memory_space<vmem>>) semaphore(%arg12 : memref<!tpu.dma_semaphore, #tpu.memory_space<semaphore_mem>>)
      %mul3A_169 = arith.constant 7 : i32
      %mul3A_170 = arith.muli %add3A_108, %mul3A_169 : i32
      %add3A_171 = arith.constant 4 : i32
      %add3A_172 = arith.addi %mul3A_170, %add3A_171 : i32
      %dma_start3A_173 = arith.constant 4 : i32
      %dma_start3A_174 = arith.constant 0 : i32
      %dma_start3A_175 = arith.constant 0 : i32
      %dma_start3A_176 = tpu.memref_slice %arg10[%dma_start3A_173, %dma_start3A_174, %dma_start3A_175] : memref<7x128x16xf32, #tpu.memory_space<vmem>> -> memref<1x128x16xf32, #tpu.memory_space<vmem>>
      %dma_start3A_177 = tpu.memref_squeeze %dma_start3A_176 : memref<1x128x16xf32, #tpu.memory_space<vmem>> -> memref<128x16xf32, #tpu.memory_space<vmem>>
      %dma_start3A_178 = arith.constant 0 : i32
      %dma_start3A_179 = tpu.memref_slice %arg8[%add3A_172, %dma_start3A_178] : memref<98x128xi32, #tpu.memory_space<vmem>> -> memref<1x128xi32, #tpu.memory_space<vmem>>
      %dma_start3A_180 = tpu.memref_squeeze %dma_start3A_179 : memref<1x128xi32, #tpu.memory_space<vmem>> -> memref<128xi32, #tpu.memory_space<vmem>>
      %dma_start3A_181 = arith.constant 0 : i32
      %dma_start3A_182 = arith.constant 0 : i32
      %dma_start3A_183 = tpu.memref_slice %arg2[%dma_start3A_181, %dma_start3A_182] : memref<1048576x16xf32, #tpu.memory_space<hbm>> -> memref<1048576x16xf32, #tpu.memory_space<hbm>>
      tpu.enqueue_indirect_dma source(%dma_start3A_183 : memref<1048576x16xf32, #tpu.memory_space<hbm>>) target(%dma_start3A_177 : memref<128x16xf32, #tpu.memory_space<vmem>>) offsets(%dma_start3A_180 : memref<128xi32, #tpu.memory_space<vmem>>) semaphore(%arg12 : memref<!tpu.dma_semaphore, #tpu.memory_space<semaphore_mem>>)
      %mul3A_184 = arith.constant 7 : i32
      %mul3A_185 = arith.muli %add3A_108, %mul3A_184 : i32
      %add3A_186 = arith.constant 5 : i32
      %add3A_187 = arith.addi %mul3A_185, %add3A_186 : i32
      %dma_start3A_188 = arith.constant 5 : i32
      %dma_start3A_189 = arith.constant 0 : i32
      %dma_start3A_190 = arith.constant 0 : i32
      %dma_start3A_191 = tpu.memref_slice %arg10[%dma_start3A_188, %dma_start3A_189, %dma_start3A_190] : memref<7x128x16xf32, #tpu.memory_space<vmem>> -> memref<1x128x16xf32, #tpu.memory_space<vmem>>
      %dma_start3A_192 = tpu.memref_squeeze %dma_start3A_191 : memref<1x128x16xf32, #tpu.memory_space<vmem>> -> memref<128x16xf32, #tpu.memory_space<vmem>>
      %dma_start3A_193 = arith.constant 0 : i32
      %dma_start3A_194 = tpu.memref_slice %arg8[%add3A_187, %dma_start3A_193] : memref<98x128xi32, #tpu.memory_space<vmem>> -> memref<1x128xi32, #tpu.memory_space<vmem>>
      %dma_start3A_195 = tpu.memref_squeeze %dma_start3A_194 : memref<1x128xi32, #tpu.memory_space<vmem>> -> memref<128xi32, #tpu.memory_space<vmem>>
      %dma_start3A_196 = arith.constant 0 : i32
      %dma_start3A_197 = arith.constant 0 : i32
      %dma_start3A_198 = tpu.memref_slice %arg2[%dma_start3A_196, %dma_start3A_197] : memref<1048576x16xf32, #tpu.memory_space<hbm>> -> memref<1048576x16xf32, #tpu.memory_space<hbm>>
      tpu.enqueue_indirect_dma source(%dma_start3A_198 : memref<1048576x16xf32, #tpu.memory_space<hbm>>) target(%dma_start3A_192 : memref<128x16xf32, #tpu.memory_space<vmem>>) offsets(%dma_start3A_195 : memref<128xi32, #tpu.memory_space<vmem>>) semaphore(%arg12 : memref<!tpu.dma_semaphore, #tpu.memory_space<semaphore_mem>>)
      %mul3A_199 = arith.constant 7 : i32
      %mul3A_200 = arith.muli %add3A_108, %mul3A_199 : i32
      %add3A_201 = arith.constant 6 : i32
      %add3A_202 = arith.addi %mul3A_200, %add3A_201 : i32
      %dma_start3A_203 = arith.constant 6 : i32
      %dma_start3A_204 = arith.constant 0 : i32
      %dma_start3A_205 = arith.constant 0 : i32
      %dma_start3A_206 = tpu.memref_slice %arg10[%dma_start3A_203, %dma_start3A_204, %dma_start3A_205] : memref<7x128x16xf32, #tpu.memory_space<vmem>> -> memref<1x128x16xf32, #tpu.memory_space<vmem>>
      %dma_start3A_207 = tpu.memref_squeeze %dma_start3A_206 : memref<1x128x16xf32, #tpu.memory_space<vmem>> -> memref<128x16xf32, #tpu.memory_space<vmem>>
      %dma_start3A_208 = arith.constant 0 : i32
      %dma_start3A_209 = tpu.memref_slice %arg8[%add3A_202, %dma_start3A_208] : memref<98x128xi32, #tpu.memory_space<vmem>> -> memref<1x128xi32, #tpu.memory_space<vmem>>
      %dma_start3A_210 = tpu.memref_squeeze %dma_start3A_209 : memref<1x128xi32, #tpu.memory_space<vmem>> -> memref<128xi32, #tpu.memory_space<vmem>>
      %dma_start3A_211 = arith.constant 0 : i32
      %dma_start3A_212 = arith.constant 0 : i32
      %dma_start3A_213 = tpu.memref_slice %arg2[%dma_start3A_211, %dma_start3A_212] : memref<1048576x16xf32, #tpu.memory_space<hbm>> -> memref<1048576x16xf32, #tpu.memory_space<hbm>>
      tpu.enqueue_indirect_dma source(%dma_start3A_213 : memref<1048576x16xf32, #tpu.memory_space<hbm>>) target(%dma_start3A_207 : memref<128x16xf32, #tpu.memory_space<vmem>>) offsets(%dma_start3A_210 : memref<128xi32, #tpu.memory_space<vmem>>) semaphore(%arg12 : memref<!tpu.dma_semaphore, #tpu.memory_space<semaphore_mem>>)
      %mul3A_214 = arith.constant 7 : i32
      %mul3A_215 = arith.muli %mul3A_106, %mul3A_214 : i32
      %add3A_216 = arith.constant 0 : i32
      %add3A_217 = arith.addi %mul3A_215, %add3A_216 : i32
      %dma_wait3A = arith.constant 0 : i32
      %dma_wait3A_218 = arith.constant 0 : i32
      %dma_wait3A_219 = arith.constant 0 : i32
      %dma_wait3A_220 = tpu.memref_slice %arg9[%dma_wait3A, %dma_wait3A_218, %dma_wait3A_219] : memref<7x128x16xf32, #tpu.memory_space<vmem>> -> memref<1x128x16xf32, #tpu.memory_space<vmem>>
      %dma_wait3A_221 = tpu.memref_squeeze %dma_wait3A_220 : memref<1x128x16xf32, #tpu.memory_space<vmem>> -> memref<128x16xf32, #tpu.memory_space<vmem>>
      %dma_wait3A_222 = arith.constant 0 : i32
      %dma_wait3A_223 = tpu.memref_slice %arg8[%add3A_217, %dma_wait3A_222] : memref<98x128xi32, #tpu.memory_space<vmem>> -> memref<1x128xi32, #tpu.memory_space<vmem>>
      %dma_wait3A_224 = tpu.memref_squeeze %dma_wait3A_223 : memref<1x128xi32, #tpu.memory_space<vmem>> -> memref<128xi32, #tpu.memory_space<vmem>>
      %dma_wait3A_225 = arith.constant 0 : i32
      %dma_wait3A_226 = arith.constant 0 : i32
      %dma_wait3A_227 = tpu.memref_slice %arg2[%dma_wait3A_225, %dma_wait3A_226] : memref<1048576x16xf32, #tpu.memory_space<hbm>> -> memref<1048576x16xf32, #tpu.memory_space<hbm>>
      tpu.wait_indirect_dma semaphore(%arg11 : memref<!tpu.dma_semaphore, #tpu.memory_space<semaphore_mem>>) src(%dma_wait3A_227 : memref<1048576x16xf32, #tpu.memory_space<hbm>>) dst(%dma_wait3A_221 : memref<128x16xf32, #tpu.memory_space<vmem>>)
      %mul3A_228 = arith.constant 128 : i32
      %mul3A_229 = arith.muli %add3A_217, %mul3A_228 : i32
      %add3A_230 = arith.addi %min3A_3, %mul3A_229 : i32
      %run_scoped3A = arith.constant 0 : i32
      "tpu.region"() ({
        %run_scoped3A_485 = tpu.sem_alloc : memref<!tpu.dma_semaphore, #tpu.memory_space<semaphore_mem>>
        %dma_start3A_486 = arith.constant 0 : i32
        %dma_start3A_487 = arith.constant 0 : i32
        %dma_start3A_488 = tpu.memref_slice %arg9[%run_scoped3A, %dma_start3A_486, %dma_start3A_487] : memref<7x128x16xf32, #tpu.memory_space<vmem>> -> memref<1x128x16xf32, #tpu.memory_space<vmem>>
        %dma_start3A_489 = tpu.memref_squeeze %dma_start3A_488 : memref<1x128x16xf32, #tpu.memory_space<vmem>> -> memref<128x16xf32, #tpu.memory_space<vmem>>
        %dma_start3A_490 = arith.constant 0 : i32
        %dma_start3A_491 = tpu.memref_slice %arg5[%add3A_230, %dma_start3A_490] : memref<400000x16xf32, #tpu.memory_space<hbm>> -> memref<128x16xf32, #tpu.memory_space<hbm>>
        %dma_start3A_492 = arith.constant 0 : i32
        %dma_start3A_493 = tpu.memref_slice %arg5[%add3A_230, %dma_start3A_492] : memref<400000x16xf32, #tpu.memory_space<hbm>> -> memref<128x16xf32, #tpu.memory_space<hbm>>
        %dma_start3A_494 = arith.constant 0 : i32
        %dma_start3A_495 = arith.constant 0 : i32
        %dma_start3A_496 = tpu.memref_slice %arg9[%run_scoped3A, %dma_start3A_494, %dma_start3A_495] : memref<7x128x16xf32, #tpu.memory_space<vmem>> -> memref<1x128x16xf32, #tpu.memory_space<vmem>>
        %dma_start3A_497 = tpu.memref_squeeze %dma_start3A_496 : memref<1x128x16xf32, #tpu.memory_space<vmem>> -> memref<128x16xf32, #tpu.memory_space<vmem>>
        tpu.enqueue_dma source(%dma_start3A_497 : memref<128x16xf32, #tpu.memory_space<vmem>>) target(%dma_start3A_493 : memref<128x16xf32, #tpu.memory_space<hbm>>) target_semaphore(%run_scoped3A_485 : memref<!tpu.dma_semaphore, #tpu.memory_space<semaphore_mem>>)
        %dma_wait3A_498 = arith.constant 0 : i32
        %dma_wait3A_499 = arith.constant 0 : i32
        %dma_wait3A_500 = tpu.memref_slice %arg9[%run_scoped3A, %dma_wait3A_498, %dma_wait3A_499] : memref<7x128x16xf32, #tpu.memory_space<vmem>> -> memref<1x128x16xf32, #tpu.memory_space<vmem>>
        %dma_wait3A_501 = tpu.memref_squeeze %dma_wait3A_500 : memref<1x128x16xf32, #tpu.memory_space<vmem>> -> memref<128x16xf32, #tpu.memory_space<vmem>>
        %dma_wait3A_502 = arith.constant 0 : i32
        %dma_wait3A_503 = tpu.memref_slice %arg5[%add3A_230, %dma_wait3A_502] : memref<400000x16xf32, #tpu.memory_space<hbm>> -> memref<128x16xf32, #tpu.memory_space<hbm>>
        %dma_wait3A_504 = arith.constant 0 : i32
        %dma_wait3A_505 = tpu.memref_slice %arg5[%add3A_230, %dma_wait3A_504] : memref<400000x16xf32, #tpu.memory_space<hbm>> -> memref<128x16xf32, #tpu.memory_space<hbm>>
        %dma_wait3A_506 = arith.constant 0 : i32
        %dma_wait3A_507 = arith.constant 0 : i32
        %dma_wait3A_508 = tpu.memref_slice %arg9[%run_scoped3A, %dma_wait3A_506, %dma_wait3A_507] : memref<7x128x16xf32, #tpu.memory_space<vmem>> -> memref<1x128x16xf32, #tpu.memory_space<vmem>>
        %dma_wait3A_509 = tpu.memref_squeeze %dma_wait3A_508 : memref<1x128x16xf32, #tpu.memory_space<vmem>> -> memref<128x16xf32, #tpu.memory_space<vmem>>
        tpu.wait_dma2 semaphore(%run_scoped3A_485 : memref<!tpu.dma_semaphore, #tpu.memory_space<semaphore_mem>>) src(%dma_wait3A_509 : memref<128x16xf32, #tpu.memory_space<vmem>>) dst(%dma_wait3A_505 : memref<128x16xf32, #tpu.memory_space<hbm>>)
        tpu.yield
      }) : () -> ()
      %mul3A_231 = arith.constant 7 : i32
      %mul3A_232 = arith.muli %mul3A_106, %mul3A_231 : i32
      %add3A_233 = arith.constant 1 : i32
      %add3A_234 = arith.addi %mul3A_232, %add3A_233 : i32
      %dma_wait3A_235 = arith.constant 1 : i32
      %dma_wait3A_236 = arith.constant 0 : i32
      %dma_wait3A_237 = arith.constant 0 : i32
      %dma_wait3A_238 = tpu.memref_slice %arg9[%dma_wait3A_235, %dma_wait3A_236, %dma_wait3A_237] : memref<7x128x16xf32, #tpu.memory_space<vmem>> -> memref<1x128x16xf32, #tpu.memory_space<vmem>>
      %dma_wait3A_239 = tpu.memref_squeeze %dma_wait3A_238 : memref<1x128x16xf32, #tpu.memory_space<vmem>> -> memref<128x16xf32, #tpu.memory_space<vmem>>
      %dma_wait3A_240 = arith.constant 0 : i32
      %dma_wait3A_241 = tpu.memref_slice %arg8[%add3A_234, %dma_wait3A_240] : memref<98x128xi32, #tpu.memory_space<vmem>> -> memref<1x128xi32, #tpu.memory_space<vmem>>
      %dma_wait3A_242 = tpu.memref_squeeze %dma_wait3A_241 : memref<1x128xi32, #tpu.memory_space<vmem>> -> memref<128xi32, #tpu.memory_space<vmem>>
      %dma_wait3A_243 = arith.constant 0 : i32
      %dma_wait3A_244 = arith.constant 0 : i32
      %dma_wait3A_245 = tpu.memref_slice %arg2[%dma_wait3A_243, %dma_wait3A_244] : memref<1048576x16xf32, #tpu.memory_space<hbm>> -> memref<1048576x16xf32, #tpu.memory_space<hbm>>
      tpu.wait_indirect_dma semaphore(%arg11 : memref<!tpu.dma_semaphore, #tpu.memory_space<semaphore_mem>>) src(%dma_wait3A_245 : memref<1048576x16xf32, #tpu.memory_space<hbm>>) dst(%dma_wait3A_239 : memref<128x16xf32, #tpu.memory_space<vmem>>)
      %mul3A_246 = arith.constant 128 : i32
      %mul3A_247 = arith.muli %add3A_234, %mul3A_246 : i32
      %add3A_248 = arith.addi %min3A_3, %mul3A_247 : i32
      %run_scoped3A_249 = arith.constant 1 : i32
      "tpu.region"() ({
        %run_scoped3A_485 = tpu.sem_alloc : memref<!tpu.dma_semaphore, #tpu.memory_space<semaphore_mem>>
        %dma_start3A_486 = arith.constant 0 : i32
        %dma_start3A_487 = arith.constant 0 : i32
        %dma_start3A_488 = tpu.memref_slice %arg9[%run_scoped3A_249, %dma_start3A_486, %dma_start3A_487] : memref<7x128x16xf32, #tpu.memory_space<vmem>> -> memref<1x128x16xf32, #tpu.memory_space<vmem>>
        %dma_start3A_489 = tpu.memref_squeeze %dma_start3A_488 : memref<1x128x16xf32, #tpu.memory_space<vmem>> -> memref<128x16xf32, #tpu.memory_space<vmem>>
        %dma_start3A_490 = arith.constant 0 : i32
        %dma_start3A_491 = tpu.memref_slice %arg5[%add3A_248, %dma_start3A_490] : memref<400000x16xf32, #tpu.memory_space<hbm>> -> memref<128x16xf32, #tpu.memory_space<hbm>>
        %dma_start3A_492 = arith.constant 0 : i32
        %dma_start3A_493 = tpu.memref_slice %arg5[%add3A_248, %dma_start3A_492] : memref<400000x16xf32, #tpu.memory_space<hbm>> -> memref<128x16xf32, #tpu.memory_space<hbm>>
        %dma_start3A_494 = arith.constant 0 : i32
        %dma_start3A_495 = arith.constant 0 : i32
        %dma_start3A_496 = tpu.memref_slice %arg9[%run_scoped3A_249, %dma_start3A_494, %dma_start3A_495] : memref<7x128x16xf32, #tpu.memory_space<vmem>> -> memref<1x128x16xf32, #tpu.memory_space<vmem>>
        %dma_start3A_497 = tpu.memref_squeeze %dma_start3A_496 : memref<1x128x16xf32, #tpu.memory_space<vmem>> -> memref<128x16xf32, #tpu.memory_space<vmem>>
        tpu.enqueue_dma source(%dma_start3A_497 : memref<128x16xf32, #tpu.memory_space<vmem>>) target(%dma_start3A_493 : memref<128x16xf32, #tpu.memory_space<hbm>>) target_semaphore(%run_scoped3A_485 : memref<!tpu.dma_semaphore, #tpu.memory_space<semaphore_mem>>)
        %dma_wait3A_498 = arith.constant 0 : i32
        %dma_wait3A_499 = arith.constant 0 : i32
        %dma_wait3A_500 = tpu.memref_slice %arg9[%run_scoped3A_249, %dma_wait3A_498, %dma_wait3A_499] : memref<7x128x16xf32, #tpu.memory_space<vmem>> -> memref<1x128x16xf32, #tpu.memory_space<vmem>>
        %dma_wait3A_501 = tpu.memref_squeeze %dma_wait3A_500 : memref<1x128x16xf32, #tpu.memory_space<vmem>> -> memref<128x16xf32, #tpu.memory_space<vmem>>
        %dma_wait3A_502 = arith.constant 0 : i32
        %dma_wait3A_503 = tpu.memref_slice %arg5[%add3A_248, %dma_wait3A_502] : memref<400000x16xf32, #tpu.memory_space<hbm>> -> memref<128x16xf32, #tpu.memory_space<hbm>>
        %dma_wait3A_504 = arith.constant 0 : i32
        %dma_wait3A_505 = tpu.memref_slice %arg5[%add3A_248, %dma_wait3A_504] : memref<400000x16xf32, #tpu.memory_space<hbm>> -> memref<128x16xf32, #tpu.memory_space<hbm>>
        %dma_wait3A_506 = arith.constant 0 : i32
        %dma_wait3A_507 = arith.constant 0 : i32
        %dma_wait3A_508 = tpu.memref_slice %arg9[%run_scoped3A_249, %dma_wait3A_506, %dma_wait3A_507] : memref<7x128x16xf32, #tpu.memory_space<vmem>> -> memref<1x128x16xf32, #tpu.memory_space<vmem>>
        %dma_wait3A_509 = tpu.memref_squeeze %dma_wait3A_508 : memref<1x128x16xf32, #tpu.memory_space<vmem>> -> memref<128x16xf32, #tpu.memory_space<vmem>>
        tpu.wait_dma2 semaphore(%run_scoped3A_485 : memref<!tpu.dma_semaphore, #tpu.memory_space<semaphore_mem>>) src(%dma_wait3A_509 : memref<128x16xf32, #tpu.memory_space<vmem>>) dst(%dma_wait3A_505 : memref<128x16xf32, #tpu.memory_space<hbm>>)
        tpu.yield
      }) : () -> ()
      %mul3A_250 = arith.constant 7 : i32
      %mul3A_251 = arith.muli %mul3A_106, %mul3A_250 : i32
      %add3A_252 = arith.constant 2 : i32
      %add3A_253 = arith.addi %mul3A_251, %add3A_252 : i32
      %dma_wait3A_254 = arith.constant 2 : i32
      %dma_wait3A_255 = arith.constant 0 : i32
      %dma_wait3A_256 = arith.constant 0 : i32
      %dma_wait3A_257 = tpu.memref_slice %arg9[%dma_wait3A_254, %dma_wait3A_255, %dma_wait3A_256] : memref<7x128x16xf32, #tpu.memory_space<vmem>> -> memref<1x128x16xf32, #tpu.memory_space<vmem>>
      %dma_wait3A_258 = tpu.memref_squeeze %dma_wait3A_257 : memref<1x128x16xf32, #tpu.memory_space<vmem>> -> memref<128x16xf32, #tpu.memory_space<vmem>>
      %dma_wait3A_259 = arith.constant 0 : i32
      %dma_wait3A_260 = tpu.memref_slice %arg8[%add3A_253, %dma_wait3A_259] : memref<98x128xi32, #tpu.memory_space<vmem>> -> memref<1x128xi32, #tpu.memory_space<vmem>>
      %dma_wait3A_261 = tpu.memref_squeeze %dma_wait3A_260 : memref<1x128xi32, #tpu.memory_space<vmem>> -> memref<128xi32, #tpu.memory_space<vmem>>
      %dma_wait3A_262 = arith.constant 0 : i32
      %dma_wait3A_263 = arith.constant 0 : i32
      %dma_wait3A_264 = tpu.memref_slice %arg2[%dma_wait3A_262, %dma_wait3A_263] : memref<1048576x16xf32, #tpu.memory_space<hbm>> -> memref<1048576x16xf32, #tpu.memory_space<hbm>>
      tpu.wait_indirect_dma semaphore(%arg11 : memref<!tpu.dma_semaphore, #tpu.memory_space<semaphore_mem>>) src(%dma_wait3A_264 : memref<1048576x16xf32, #tpu.memory_space<hbm>>) dst(%dma_wait3A_258 : memref<128x16xf32, #tpu.memory_space<vmem>>)
      %mul3A_265 = arith.constant 128 : i32
      %mul3A_266 = arith.muli %add3A_253, %mul3A_265 : i32
      %add3A_267 = arith.addi %min3A_3, %mul3A_266 : i32
      %run_scoped3A_268 = arith.constant 2 : i32
      "tpu.region"() ({
        %run_scoped3A_485 = tpu.sem_alloc : memref<!tpu.dma_semaphore, #tpu.memory_space<semaphore_mem>>
        %dma_start3A_486 = arith.constant 0 : i32
        %dma_start3A_487 = arith.constant 0 : i32
        %dma_start3A_488 = tpu.memref_slice %arg9[%run_scoped3A_268, %dma_start3A_486, %dma_start3A_487] : memref<7x128x16xf32, #tpu.memory_space<vmem>> -> memref<1x128x16xf32, #tpu.memory_space<vmem>>
        %dma_start3A_489 = tpu.memref_squeeze %dma_start3A_488 : memref<1x128x16xf32, #tpu.memory_space<vmem>> -> memref<128x16xf32, #tpu.memory_space<vmem>>
        %dma_start3A_490 = arith.constant 0 : i32
        %dma_start3A_491 = tpu.memref_slice %arg5[%add3A_267, %dma_start3A_490] : memref<400000x16xf32, #tpu.memory_space<hbm>> -> memref<128x16xf32, #tpu.memory_space<hbm>>
        %dma_start3A_492 = arith.constant 0 : i32
        %dma_start3A_493 = tpu.memref_slice %arg5[%add3A_267, %dma_start3A_492] : memref<400000x16xf32, #tpu.memory_space<hbm>> -> memref<128x16xf32, #tpu.memory_space<hbm>>
        %dma_start3A_494 = arith.constant 0 : i32
        %dma_start3A_495 = arith.constant 0 : i32
        %dma_start3A_496 = tpu.memref_slice %arg9[%run_scoped3A_268, %dma_start3A_494, %dma_start3A_495] : memref<7x128x16xf32, #tpu.memory_space<vmem>> -> memref<1x128x16xf32, #tpu.memory_space<vmem>>
        %dma_start3A_497 = tpu.memref_squeeze %dma_start3A_496 : memref<1x128x16xf32, #tpu.memory_space<vmem>> -> memref<128x16xf32, #tpu.memory_space<vmem>>
        tpu.enqueue_dma source(%dma_start3A_497 : memref<128x16xf32, #tpu.memory_space<vmem>>) target(%dma_start3A_493 : memref<128x16xf32, #tpu.memory_space<hbm>>) target_semaphore(%run_scoped3A_485 : memref<!tpu.dma_semaphore, #tpu.memory_space<semaphore_mem>>)
        %dma_wait3A_498 = arith.constant 0 : i32
        %dma_wait3A_499 = arith.constant 0 : i32
        %dma_wait3A_500 = tpu.memref_slice %arg9[%run_scoped3A_268, %dma_wait3A_498, %dma_wait3A_499] : memref<7x128x16xf32, #tpu.memory_space<vmem>> -> memref<1x128x16xf32, #tpu.memory_space<vmem>>
        %dma_wait3A_501 = tpu.memref_squeeze %dma_wait3A_500 : memref<1x128x16xf32, #tpu.memory_space<vmem>> -> memref<128x16xf32, #tpu.memory_space<vmem>>
        %dma_wait3A_502 = arith.constant 0 : i32
        %dma_wait3A_503 = tpu.memref_slice %arg5[%add3A_267, %dma_wait3A_502] : memref<400000x16xf32, #tpu.memory_space<hbm>> -> memref<128x16xf32, #tpu.memory_space<hbm>>
        %dma_wait3A_504 = arith.constant 0 : i32
        %dma_wait3A_505 = tpu.memref_slice %arg5[%add3A_267, %dma_wait3A_504] : memref<400000x16xf32, #tpu.memory_space<hbm>> -> memref<128x16xf32, #tpu.memory_space<hbm>>
        %dma_wait3A_506 = arith.constant 0 : i32
        %dma_wait3A_507 = arith.constant 0 : i32
        %dma_wait3A_508 = tpu.memref_slice %arg9[%run_scoped3A_268, %dma_wait3A_506, %dma_wait3A_507] : memref<7x128x16xf32, #tpu.memory_space<vmem>> -> memref<1x128x16xf32, #tpu.memory_space<vmem>>
        %dma_wait3A_509 = tpu.memref_squeeze %dma_wait3A_508 : memref<1x128x16xf32, #tpu.memory_space<vmem>> -> memref<128x16xf32, #tpu.memory_space<vmem>>
        tpu.wait_dma2 semaphore(%run_scoped3A_485 : memref<!tpu.dma_semaphore, #tpu.memory_space<semaphore_mem>>) src(%dma_wait3A_509 : memref<128x16xf32, #tpu.memory_space<vmem>>) dst(%dma_wait3A_505 : memref<128x16xf32, #tpu.memory_space<hbm>>)
        tpu.yield
      }) : () -> ()
      %mul3A_269 = arith.constant 7 : i32
      %mul3A_270 = arith.muli %mul3A_106, %mul3A_269 : i32
      %add3A_271 = arith.constant 3 : i32
      %add3A_272 = arith.addi %mul3A_270, %add3A_271 : i32
      %dma_wait3A_273 = arith.constant 3 : i32
      %dma_wait3A_274 = arith.constant 0 : i32
      %dma_wait3A_275 = arith.constant 0 : i32
      %dma_wait3A_276 = tpu.memref_slice %arg9[%dma_wait3A_273, %dma_wait3A_274, %dma_wait3A_275] : memref<7x128x16xf32, #tpu.memory_space<vmem>> -> memref<1x128x16xf32, #tpu.memory_space<vmem>>
      %dma_wait3A_277 = tpu.memref_squeeze %dma_wait3A_276 : memref<1x128x16xf32, #tpu.memory_space<vmem>> -> memref<128x16xf32, #tpu.memory_space<vmem>>
      %dma_wait3A_278 = arith.constant 0 : i32
      %dma_wait3A_279 = tpu.memref_slice %arg8[%add3A_272, %dma_wait3A_278] : memref<98x128xi32, #tpu.memory_space<vmem>> -> memref<1x128xi32, #tpu.memory_space<vmem>>
      %dma_wait3A_280 = tpu.memref_squeeze %dma_wait3A_279 : memref<1x128xi32, #tpu.memory_space<vmem>> -> memref<128xi32, #tpu.memory_space<vmem>>
      %dma_wait3A_281 = arith.constant 0 : i32
      %dma_wait3A_282 = arith.constant 0 : i32
      %dma_wait3A_283 = tpu.memref_slice %arg2[%dma_wait3A_281, %dma_wait3A_282] : memref<1048576x16xf32, #tpu.memory_space<hbm>> -> memref<1048576x16xf32, #tpu.memory_space<hbm>>
      tpu.wait_indirect_dma semaphore(%arg11 : memref<!tpu.dma_semaphore, #tpu.memory_space<semaphore_mem>>) src(%dma_wait3A_283 : memref<1048576x16xf32, #tpu.memory_space<hbm>>) dst(%dma_wait3A_277 : memref<128x16xf32, #tpu.memory_space<vmem>>)
      %mul3A_284 = arith.constant 128 : i32
      %mul3A_285 = arith.muli %add3A_272, %mul3A_284 : i32
      %add3A_286 = arith.addi %min3A_3, %mul3A_285 : i32
      %run_scoped3A_287 = arith.constant 3 : i32
      "tpu.region"() ({
        %run_scoped3A_485 = tpu.sem_alloc : memref<!tpu.dma_semaphore, #tpu.memory_space<semaphore_mem>>
        %dma_start3A_486 = arith.constant 0 : i32
        %dma_start3A_487 = arith.constant 0 : i32
        %dma_start3A_488 = tpu.memref_slice %arg9[%run_scoped3A_287, %dma_start3A_486, %dma_start3A_487] : memref<7x128x16xf32, #tpu.memory_space<vmem>> -> memref<1x128x16xf32, #tpu.memory_space<vmem>>
        %dma_start3A_489 = tpu.memref_squeeze %dma_start3A_488 : memref<1x128x16xf32, #tpu.memory_space<vmem>> -> memref<128x16xf32, #tpu.memory_space<vmem>>
        %dma_start3A_490 = arith.constant 0 : i32
        %dma_start3A_491 = tpu.memref_slice %arg5[%add3A_286, %dma_start3A_490] : memref<400000x16xf32, #tpu.memory_space<hbm>> -> memref<128x16xf32, #tpu.memory_space<hbm>>
        %dma_start3A_492 = arith.constant 0 : i32
        %dma_start3A_493 = tpu.memref_slice %arg5[%add3A_286, %dma_start3A_492] : memref<400000x16xf32, #tpu.memory_space<hbm>> -> memref<128x16xf32, #tpu.memory_space<hbm>>
        %dma_start3A_494 = arith.constant 0 : i32
        %dma_start3A_495 = arith.constant 0 : i32
        %dma_start3A_496 = tpu.memref_slice %arg9[%run_scoped3A_287, %dma_start3A_494, %dma_start3A_495] : memref<7x128x16xf32, #tpu.memory_space<vmem>> -> memref<1x128x16xf32, #tpu.memory_space<vmem>>
        %dma_start3A_497 = tpu.memref_squeeze %dma_start3A_496 : memref<1x128x16xf32, #tpu.memory_space<vmem>> -> memref<128x16xf32, #tpu.memory_space<vmem>>
        tpu.enqueue_dma source(%dma_start3A_497 : memref<128x16xf32, #tpu.memory_space<vmem>>) target(%dma_start3A_493 : memref<128x16xf32, #tpu.memory_space<hbm>>) target_semaphore(%run_scoped3A_485 : memref<!tpu.dma_semaphore, #tpu.memory_space<semaphore_mem>>)
        %dma_wait3A_498 = arith.constant 0 : i32
        %dma_wait3A_499 = arith.constant 0 : i32
        %dma_wait3A_500 = tpu.memref_slice %arg9[%run_scoped3A_287, %dma_wait3A_498, %dma_wait3A_499] : memref<7x128x16xf32, #tpu.memory_space<vmem>> -> memref<1x128x16xf32, #tpu.memory_space<vmem>>
        %dma_wait3A_501 = tpu.memref_squeeze %dma_wait3A_500 : memref<1x128x16xf32, #tpu.memory_space<vmem>> -> memref<128x16xf32, #tpu.memory_space<vmem>>
        %dma_wait3A_502 = arith.constant 0 : i32
        %dma_wait3A_503 = tpu.memref_slice %arg5[%add3A_286, %dma_wait3A_502] : memref<400000x16xf32, #tpu.memory_space<hbm>> -> memref<128x16xf32, #tpu.memory_space<hbm>>
        %dma_wait3A_504 = arith.constant 0 : i32
        %dma_wait3A_505 = tpu.memref_slice %arg5[%add3A_286, %dma_wait3A_504] : memref<400000x16xf32, #tpu.memory_space<hbm>> -> memref<128x16xf32, #tpu.memory_space<hbm>>
        %dma_wait3A_506 = arith.constant 0 : i32
        %dma_wait3A_507 = arith.constant 0 : i32
        %dma_wait3A_508 = tpu.memref_slice %arg9[%run_scoped3A_287, %dma_wait3A_506, %dma_wait3A_507] : memref<7x128x16xf32, #tpu.memory_space<vmem>> -> memref<1x128x16xf32, #tpu.memory_space<vmem>>
        %dma_wait3A_509 = tpu.memref_squeeze %dma_wait3A_508 : memref<1x128x16xf32, #tpu.memory_space<vmem>> -> memref<128x16xf32, #tpu.memory_space<vmem>>
        tpu.wait_dma2 semaphore(%run_scoped3A_485 : memref<!tpu.dma_semaphore, #tpu.memory_space<semaphore_mem>>) src(%dma_wait3A_509 : memref<128x16xf32, #tpu.memory_space<vmem>>) dst(%dma_wait3A_505 : memref<128x16xf32, #tpu.memory_space<hbm>>)
        tpu.yield
      }) : () -> ()
      %mul3A_288 = arith.constant 7 : i32
      %mul3A_289 = arith.muli %mul3A_106, %mul3A_288 : i32
      %add3A_290 = arith.constant 4 : i32
      %add3A_291 = arith.addi %mul3A_289, %add3A_290 : i32
      %dma_wait3A_292 = arith.constant 4 : i32
      %dma_wait3A_293 = arith.constant 0 : i32
      %dma_wait3A_294 = arith.constant 0 : i32
      %dma_wait3A_295 = tpu.memref_slice %arg9[%dma_wait3A_292, %dma_wait3A_293, %dma_wait3A_294] : memref<7x128x16xf32, #tpu.memory_space<vmem>> -> memref<1x128x16xf32, #tpu.memory_space<vmem>>
      %dma_wait3A_296 = tpu.memref_squeeze %dma_wait3A_295 : memref<1x128x16xf32, #tpu.memory_space<vmem>> -> memref<128x16xf32, #tpu.memory_space<vmem>>
      %dma_wait3A_297 = arith.constant 0 : i32
      %dma_wait3A_298 = tpu.memref_slice %arg8[%add3A_291, %dma_wait3A_297] : memref<98x128xi32, #tpu.memory_space<vmem>> -> memref<1x128xi32, #tpu.memory_space<vmem>>
      %dma_wait3A_299 = tpu.memref_squeeze %dma_wait3A_298 : memref<1x128xi32, #tpu.memory_space<vmem>> -> memref<128xi32, #tpu.memory_space<vmem>>
      %dma_wait3A_300 = arith.constant 0 : i32
      %dma_wait3A_301 = arith.constant 0 : i32
      %dma_wait3A_302 = tpu.memref_slice %arg2[%dma_wait3A_300, %dma_wait3A_301] : memref<1048576x16xf32, #tpu.memory_space<hbm>> -> memref<1048576x16xf32, #tpu.memory_space<hbm>>
      tpu.wait_indirect_dma semaphore(%arg11 : memref<!tpu.dma_semaphore, #tpu.memory_space<semaphore_mem>>) src(%dma_wait3A_302 : memref<1048576x16xf32, #tpu.memory_space<hbm>>) dst(%dma_wait3A_296 : memref<128x16xf32, #tpu.memory_space<vmem>>)
      %mul3A_303 = arith.constant 128 : i32
      %mul3A_304 = arith.muli %add3A_291, %mul3A_303 : i32
      %add3A_305 = arith.addi %min3A_3, %mul3A_304 : i32
      %run_scoped3A_306 = arith.constant 4 : i32
      "tpu.region"() ({
        %run_scoped3A_485 = tpu.sem_alloc : memref<!tpu.dma_semaphore, #tpu.memory_space<semaphore_mem>>
        %dma_start3A_486 = arith.constant 0 : i32
        %dma_start3A_487 = arith.constant 0 : i32
        %dma_start3A_488 = tpu.memref_slice %arg9[%run_scoped3A_306, %dma_start3A_486, %dma_start3A_487] : memref<7x128x16xf32, #tpu.memory_space<vmem>> -> memref<1x128x16xf32, #tpu.memory_space<vmem>>
        %dma_start3A_489 = tpu.memref_squeeze %dma_start3A_488 : memref<1x128x16xf32, #tpu.memory_space<vmem>> -> memref<128x16xf32, #tpu.memory_space<vmem>>
        %dma_start3A_490 = arith.constant 0 : i32
        %dma_start3A_491 = tpu.memref_slice %arg5[%add3A_305, %dma_start3A_490] : memref<400000x16xf32, #tpu.memory_space<hbm>> -> memref<128x16xf32, #tpu.memory_space<hbm>>
        %dma_start3A_492 = arith.constant 0 : i32
        %dma_start3A_493 = tpu.memref_slice %arg5[%add3A_305, %dma_start3A_492] : memref<400000x16xf32, #tpu.memory_space<hbm>> -> memref<128x16xf32, #tpu.memory_space<hbm>>
        %dma_start3A_494 = arith.constant 0 : i32
        %dma_start3A_495 = arith.constant 0 : i32
        %dma_start3A_496 = tpu.memref_slice %arg9[%run_scoped3A_306, %dma_start3A_494, %dma_start3A_495] : memref<7x128x16xf32, #tpu.memory_space<vmem>> -> memref<1x128x16xf32, #tpu.memory_space<vmem>>
        %dma_start3A_497 = tpu.memref_squeeze %dma_start3A_496 : memref<1x128x16xf32, #tpu.memory_space<vmem>> -> memref<128x16xf32, #tpu.memory_space<vmem>>
        tpu.enqueue_dma source(%dma_start3A_497 : memref<128x16xf32, #tpu.memory_space<vmem>>) target(%dma_start3A_493 : memref<128x16xf32, #tpu.memory_space<hbm>>) target_semaphore(%run_scoped3A_485 : memref<!tpu.dma_semaphore, #tpu.memory_space<semaphore_mem>>)
        %dma_wait3A_498 = arith.constant 0 : i32
        %dma_wait3A_499 = arith.constant 0 : i32
        %dma_wait3A_500 = tpu.memref_slice %arg9[%run_scoped3A_306, %dma_wait3A_498, %dma_wait3A_499] : memref<7x128x16xf32, #tpu.memory_space<vmem>> -> memref<1x128x16xf32, #tpu.memory_space<vmem>>
        %dma_wait3A_501 = tpu.memref_squeeze %dma_wait3A_500 : memref<1x128x16xf32, #tpu.memory_space<vmem>> -> memref<128x16xf32, #tpu.memory_space<vmem>>
        %dma_wait3A_502 = arith.constant 0 : i32
        %dma_wait3A_503 = tpu.memref_slice %arg5[%add3A_305, %dma_wait3A_502] : memref<400000x16xf32, #tpu.memory_space<hbm>> -> memref<128x16xf32, #tpu.memory_space<hbm>>
        %dma_wait3A_504 = arith.constant 0 : i32
        %dma_wait3A_505 = tpu.memref_slice %arg5[%add3A_305, %dma_wait3A_504] : memref<400000x16xf32, #tpu.memory_space<hbm>> -> memref<128x16xf32, #tpu.memory_space<hbm>>
        %dma_wait3A_506 = arith.constant 0 : i32
        %dma_wait3A_507 = arith.constant 0 : i32
        %dma_wait3A_508 = tpu.memref_slice %arg9[%run_scoped3A_306, %dma_wait3A_506, %dma_wait3A_507] : memref<7x128x16xf32, #tpu.memory_space<vmem>> -> memref<1x128x16xf32, #tpu.memory_space<vmem>>
        %dma_wait3A_509 = tpu.memref_squeeze %dma_wait3A_508 : memref<1x128x16xf32, #tpu.memory_space<vmem>> -> memref<128x16xf32, #tpu.memory_space<vmem>>
        tpu.wait_dma2 semaphore(%run_scoped3A_485 : memref<!tpu.dma_semaphore, #tpu.memory_space<semaphore_mem>>) src(%dma_wait3A_509 : memref<128x16xf32, #tpu.memory_space<vmem>>) dst(%dma_wait3A_505 : memref<128x16xf32, #tpu.memory_space<hbm>>)
        tpu.yield
      }) : () -> ()
      %mul3A_307 = arith.constant 7 : i32
      %mul3A_308 = arith.muli %mul3A_106, %mul3A_307 : i32
      %add3A_309 = arith.constant 5 : i32
      %add3A_310 = arith.addi %mul3A_308, %add3A_309 : i32
      %dma_wait3A_311 = arith.constant 5 : i32
      %dma_wait3A_312 = arith.constant 0 : i32
      %dma_wait3A_313 = arith.constant 0 : i32
      %dma_wait3A_314 = tpu.memref_slice %arg9[%dma_wait3A_311, %dma_wait3A_312, %dma_wait3A_313] : memref<7x128x16xf32, #tpu.memory_space<vmem>> -> memref<1x128x16xf32, #tpu.memory_space<vmem>>
      %dma_wait3A_315 = tpu.memref_squeeze %dma_wait3A_314 : memref<1x128x16xf32, #tpu.memory_space<vmem>> -> memref<128x16xf32, #tpu.memory_space<vmem>>
      %dma_wait3A_316 = arith.constant 0 : i32
      %dma_wait3A_317 = tpu.memref_slice %arg8[%add3A_310, %dma_wait3A_316] : memref<98x128xi32, #tpu.memory_space<vmem>> -> memref<1x128xi32, #tpu.memory_space<vmem>>
      %dma_wait3A_318 = tpu.memref_squeeze %dma_wait3A_317 : memref<1x128xi32, #tpu.memory_space<vmem>> -> memref<128xi32, #tpu.memory_space<vmem>>
      %dma_wait3A_319 = arith.constant 0 : i32
      %dma_wait3A_320 = arith.constant 0 : i32
      %dma_wait3A_321 = tpu.memref_slice %arg2[%dma_wait3A_319, %dma_wait3A_320] : memref<1048576x16xf32, #tpu.memory_space<hbm>> -> memref<1048576x16xf32, #tpu.memory_space<hbm>>
      tpu.wait_indirect_dma semaphore(%arg11 : memref<!tpu.dma_semaphore, #tpu.memory_space<semaphore_mem>>) src(%dma_wait3A_321 : memref<1048576x16xf32, #tpu.memory_space<hbm>>) dst(%dma_wait3A_315 : memref<128x16xf32, #tpu.memory_space<vmem>>)
      %mul3A_322 = arith.constant 128 : i32
      %mul3A_323 = arith.muli %add3A_310, %mul3A_322 : i32
      %add3A_324 = arith.addi %min3A_3, %mul3A_323 : i32
      %run_scoped3A_325 = arith.constant 5 : i32
      "tpu.region"() ({
        %run_scoped3A_485 = tpu.sem_alloc : memref<!tpu.dma_semaphore, #tpu.memory_space<semaphore_mem>>
        %dma_start3A_486 = arith.constant 0 : i32
        %dma_start3A_487 = arith.constant 0 : i32
        %dma_start3A_488 = tpu.memref_slice %arg9[%run_scoped3A_325, %dma_start3A_486, %dma_start3A_487] : memref<7x128x16xf32, #tpu.memory_space<vmem>> -> memref<1x128x16xf32, #tpu.memory_space<vmem>>
        %dma_start3A_489 = tpu.memref_squeeze %dma_start3A_488 : memref<1x128x16xf32, #tpu.memory_space<vmem>> -> memref<128x16xf32, #tpu.memory_space<vmem>>
        %dma_start3A_490 = arith.constant 0 : i32
        %dma_start3A_491 = tpu.memref_slice %arg5[%add3A_324, %dma_start3A_490] : memref<400000x16xf32, #tpu.memory_space<hbm>> -> memref<128x16xf32, #tpu.memory_space<hbm>>
        %dma_start3A_492 = arith.constant 0 : i32
        %dma_start3A_493 = tpu.memref_slice %arg5[%add3A_324, %dma_start3A_492] : memref<400000x16xf32, #tpu.memory_space<hbm>> -> memref<128x16xf32, #tpu.memory_space<hbm>>
        %dma_start3A_494 = arith.constant 0 : i32
        %dma_start3A_495 = arith.constant 0 : i32
        %dma_start3A_496 = tpu.memref_slice %arg9[%run_scoped3A_325, %dma_start3A_494, %dma_start3A_495] : memref<7x128x16xf32, #tpu.memory_space<vmem>> -> memref<1x128x16xf32, #tpu.memory_space<vmem>>
        %dma_start3A_497 = tpu.memref_squeeze %dma_start3A_496 : memref<1x128x16xf32, #tpu.memory_space<vmem>> -> memref<128x16xf32, #tpu.memory_space<vmem>>
        tpu.enqueue_dma source(%dma_start3A_497 : memref<128x16xf32, #tpu.memory_space<vmem>>) target(%dma_start3A_493 : memref<128x16xf32, #tpu.memory_space<hbm>>) target_semaphore(%run_scoped3A_485 : memref<!tpu.dma_semaphore, #tpu.memory_space<semaphore_mem>>)
        %dma_wait3A_498 = arith.constant 0 : i32
        %dma_wait3A_499 = arith.constant 0 : i32
        %dma_wait3A_500 = tpu.memref_slice %arg9[%run_scoped3A_325, %dma_wait3A_498, %dma_wait3A_499] : memref<7x128x16xf32, #tpu.memory_space<vmem>> -> memref<1x128x16xf32, #tpu.memory_space<vmem>>
        %dma_wait3A_501 = tpu.memref_squeeze %dma_wait3A_500 : memref<1x128x16xf32, #tpu.memory_space<vmem>> -> memref<128x16xf32, #tpu.memory_space<vmem>>
        %dma_wait3A_502 = arith.constant 0 : i32
        %dma_wait3A_503 = tpu.memref_slice %arg5[%add3A_324, %dma_wait3A_502] : memref<400000x16xf32, #tpu.memory_space<hbm>> -> memref<128x16xf32, #tpu.memory_space<hbm>>
        %dma_wait3A_504 = arith.constant 0 : i32
        %dma_wait3A_505 = tpu.memref_slice %arg5[%add3A_324, %dma_wait3A_504] : memref<400000x16xf32, #tpu.memory_space<hbm>> -> memref<128x16xf32, #tpu.memory_space<hbm>>
        %dma_wait3A_506 = arith.constant 0 : i32
        %dma_wait3A_507 = arith.constant 0 : i32
        %dma_wait3A_508 = tpu.memref_slice %arg9[%run_scoped3A_325, %dma_wait3A_506, %dma_wait3A_507] : memref<7x128x16xf32, #tpu.memory_space<vmem>> -> memref<1x128x16xf32, #tpu.memory_space<vmem>>
        %dma_wait3A_509 = tpu.memref_squeeze %dma_wait3A_508 : memref<1x128x16xf32, #tpu.memory_space<vmem>> -> memref<128x16xf32, #tpu.memory_space<vmem>>
        tpu.wait_dma2 semaphore(%run_scoped3A_485 : memref<!tpu.dma_semaphore, #tpu.memory_space<semaphore_mem>>) src(%dma_wait3A_509 : memref<128x16xf32, #tpu.memory_space<vmem>>) dst(%dma_wait3A_505 : memref<128x16xf32, #tpu.memory_space<hbm>>)
        tpu.yield
      }) : () -> ()
      %mul3A_326 = arith.constant 7 : i32
      %mul3A_327 = arith.muli %mul3A_106, %mul3A_326 : i32
      %add3A_328 = arith.constant 6 : i32
      %add3A_329 = arith.addi %mul3A_327, %add3A_328 : i32
      %dma_wait3A_330 = arith.constant 6 : i32
      %dma_wait3A_331 = arith.constant 0 : i32
      %dma_wait3A_332 = arith.constant 0 : i32
      %dma_wait3A_333 = tpu.memref_slice %arg9[%dma_wait3A_330, %dma_wait3A_331, %dma_wait3A_332] : memref<7x128x16xf32, #tpu.memory_space<vmem>> -> memref<1x128x16xf32, #tpu.memory_space<vmem>>
      %dma_wait3A_334 = tpu.memref_squeeze %dma_wait3A_333 : memref<1x128x16xf32, #tpu.memory_space<vmem>> -> memref<128x16xf32, #tpu.memory_space<vmem>>
      %dma_wait3A_335 = arith.constant 0 : i32
      %dma_wait3A_336 = tpu.memref_slice %arg8[%add3A_329, %dma_wait3A_335] : memref<98x128xi32, #tpu.memory_space<vmem>> -> memref<1x128xi32, #tpu.memory_space<vmem>>
      %dma_wait3A_337 = tpu.memref_squeeze %dma_wait3A_336 : memref<1x128xi32, #tpu.memory_space<vmem>> -> memref<128xi32, #tpu.memory_space<vmem>>
      %dma_wait3A_338 = arith.constant 0 : i32
      %dma_wait3A_339 = arith.constant 0 : i32
      %dma_wait3A_340 = tpu.memref_slice %arg2[%dma_wait3A_338, %dma_wait3A_339] : memref<1048576x16xf32, #tpu.memory_space<hbm>> -> memref<1048576x16xf32, #tpu.memory_space<hbm>>
      tpu.wait_indirect_dma semaphore(%arg11 : memref<!tpu.dma_semaphore, #tpu.memory_space<semaphore_mem>>) src(%dma_wait3A_340 : memref<1048576x16xf32, #tpu.memory_space<hbm>>) dst(%dma_wait3A_334 : memref<128x16xf32, #tpu.memory_space<vmem>>)
      %mul3A_341 = arith.constant 128 : i32
      %mul3A_342 = arith.muli %add3A_329, %mul3A_341 : i32
      %add3A_343 = arith.addi %min3A_3, %mul3A_342 : i32
      %run_scoped3A_344 = arith.constant 6 : i32
      "tpu.region"() ({
        %run_scoped3A_485 = tpu.sem_alloc : memref<!tpu.dma_semaphore, #tpu.memory_space<semaphore_mem>>
        %dma_start3A_486 = arith.constant 0 : i32
        %dma_start3A_487 = arith.constant 0 : i32
        %dma_start3A_488 = tpu.memref_slice %arg9[%run_scoped3A_344, %dma_start3A_486, %dma_start3A_487] : memref<7x128x16xf32, #tpu.memory_space<vmem>> -> memref<1x128x16xf32, #tpu.memory_space<vmem>>
        %dma_start3A_489 = tpu.memref_squeeze %dma_start3A_488 : memref<1x128x16xf32, #tpu.memory_space<vmem>> -> memref<128x16xf32, #tpu.memory_space<vmem>>
        %dma_start3A_490 = arith.constant 0 : i32
        %dma_start3A_491 = tpu.memref_slice %arg5[%add3A_343, %dma_start3A_490] : memref<400000x16xf32, #tpu.memory_space<hbm>> -> memref<128x16xf32, #tpu.memory_space<hbm>>
        %dma_start3A_492 = arith.constant 0 : i32
        %dma_start3A_493 = tpu.memref_slice %arg5[%add3A_343, %dma_start3A_492] : memref<400000x16xf32, #tpu.memory_space<hbm>> -> memref<128x16xf32, #tpu.memory_space<hbm>>
        %dma_start3A_494 = arith.constant 0 : i32
        %dma_start3A_495 = arith.constant 0 : i32
        %dma_start3A_496 = tpu.memref_slice %arg9[%run_scoped3A_344, %dma_start3A_494, %dma_start3A_495] : memref<7x128x16xf32, #tpu.memory_space<vmem>> -> memref<1x128x16xf32, #tpu.memory_space<vmem>>
        %dma_start3A_497 = tpu.memref_squeeze %dma_start3A_496 : memref<1x128x16xf32, #tpu.memory_space<vmem>> -> memref<128x16xf32, #tpu.memory_space<vmem>>
        tpu.enqueue_dma source(%dma_start3A_497 : memref<128x16xf32, #tpu.memory_space<vmem>>) target(%dma_start3A_493 : memref<128x16xf32, #tpu.memory_space<hbm>>) target_semaphore(%run_scoped3A_485 : memref<!tpu.dma_semaphore, #tpu.memory_space<semaphore_mem>>)
        %dma_wait3A_498 = arith.constant 0 : i32
        %dma_wait3A_499 = arith.constant 0 : i32
        %dma_wait3A_500 = tpu.memref_slice %arg9[%run_scoped3A_344, %dma_wait3A_498, %dma_wait3A_499] : memref<7x128x16xf32, #tpu.memory_space<vmem>> -> memref<1x128x16xf32, #tpu.memory_space<vmem>>
        %dma_wait3A_501 = tpu.memref_squeeze %dma_wait3A_500 : memref<1x128x16xf32, #tpu.memory_space<vmem>> -> memref<128x16xf32, #tpu.memory_space<vmem>>
        %dma_wait3A_502 = arith.constant 0 : i32
        %dma_wait3A_503 = tpu.memref_slice %arg5[%add3A_343, %dma_wait3A_502] : memref<400000x16xf32, #tpu.memory_space<hbm>> -> memref<128x16xf32, #tpu.memory_space<hbm>>
        %dma_wait3A_504 = arith.constant 0 : i32
        %dma_wait3A_505 = tpu.memref_slice %arg5[%add3A_343, %dma_wait3A_504] : memref<400000x16xf32, #tpu.memory_space<hbm>> -> memref<128x16xf32, #tpu.memory_space<hbm>>
        %dma_wait3A_506 = arith.constant 0 : i32
        %dma_wait3A_507 = arith.constant 0 : i32
        %dma_wait3A_508 = tpu.memref_slice %arg9[%run_scoped3A_344, %dma_wait3A_506, %dma_wait3A_507] : memref<7x128x16xf32, #tpu.memory_space<vmem>> -> memref<1x128x16xf32, #tpu.memory_space<vmem>>
        %dma_wait3A_509 = tpu.memref_squeeze %dma_wait3A_508 : memref<1x128x16xf32, #tpu.memory_space<vmem>> -> memref<128x16xf32, #tpu.memory_space<vmem>>
        tpu.wait_dma2 semaphore(%run_scoped3A_485 : memref<!tpu.dma_semaphore, #tpu.memory_space<semaphore_mem>>) src(%dma_wait3A_509 : memref<128x16xf32, #tpu.memory_space<vmem>>) dst(%dma_wait3A_505 : memref<128x16xf32, #tpu.memory_space<hbm>>)
        tpu.yield
      }) : () -> ()
      %add3A_345 = arith.constant 2 : i32
      %add3A_346 = arith.addi %mul3A_106, %add3A_345 : i32
      %lt3A = arith.constant 14 : i32
      %lt3A_347 = arith.cmpi slt, %add3A_346, %lt3A : i32
      %convert_element_type3A = arith.extui %lt3A_347 : i1 to i32
      %cond3A = arith.constant 0 : i32
      %cond3A_348 = arith.cmpi ne, %convert_element_type3A, %cond3A : i32
      scf.if %cond3A_348 {
        %add3A_485 = arith.constant 2 : i32
        %add3A_486 = arith.addi %mul3A_106, %add3A_485 : i32
        %mul3A_487 = arith.constant 7 : i32
        %mul3A_488 = arith.muli %add3A_486, %mul3A_487 : i32
        %add3A_489 = arith.constant 0 : i32
        %add3A_490 = arith.addi %mul3A_488, %add3A_489 : i32
        %dma_start3A_491 = arith.constant 0 : i32
        %dma_start3A_492 = arith.constant 0 : i32
        %dma_start3A_493 = arith.constant 0 : i32
        %dma_start3A_494 = tpu.memref_slice %arg9[%dma_start3A_491, %dma_start3A_492, %dma_start3A_493] : memref<7x128x16xf32, #tpu.memory_space<vmem>> -> memref<1x128x16xf32, #tpu.memory_space<vmem>>
        %dma_start3A_495 = tpu.memref_squeeze %dma_start3A_494 : memref<1x128x16xf32, #tpu.memory_space<vmem>> -> memref<128x16xf32, #tpu.memory_space<vmem>>
        %dma_start3A_496 = arith.constant 0 : i32
        %dma_start3A_497 = tpu.memref_slice %arg8[%add3A_490, %dma_start3A_496] : memref<98x128xi32, #tpu.memory_space<vmem>> -> memref<1x128xi32, #tpu.memory_space<vmem>>
        %dma_start3A_498 = tpu.memref_squeeze %dma_start3A_497 : memref<1x128xi32, #tpu.memory_space<vmem>> -> memref<128xi32, #tpu.memory_space<vmem>>
        %dma_start3A_499 = arith.constant 0 : i32
        %dma_start3A_500 = arith.constant 0 : i32
        %dma_start3A_501 = tpu.memref_slice %arg2[%dma_start3A_499, %dma_start3A_500] : memref<1048576x16xf32, #tpu.memory_space<hbm>> -> memref<1048576x16xf32, #tpu.memory_space<hbm>>
        tpu.enqueue_indirect_dma source(%dma_start3A_501 : memref<1048576x16xf32, #tpu.memory_space<hbm>>) target(%dma_start3A_495 : memref<128x16xf32, #tpu.memory_space<vmem>>) offsets(%dma_start3A_498 : memref<128xi32, #tpu.memory_space<vmem>>) semaphore(%arg11 : memref<!tpu.dma_semaphore, #tpu.memory_space<semaphore_mem>>)
        %mul3A_502 = arith.constant 7 : i32
        %mul3A_503 = arith.muli %add3A_486, %mul3A_502 : i32
        %add3A_504 = arith.constant 1 : i32
        %add3A_505 = arith.addi %mul3A_503, %add3A_504 : i32
        %dma_start3A_506 = arith.constant 1 : i32
        %dma_start3A_507 = arith.constant 0 : i32
        %dma_start3A_508 = arith.constant 0 : i32
        %dma_start3A_509 = tpu.memref_slice %arg9[%dma_start3A_506, %dma_start3A_507, %dma_start3A_508] : memref<7x128x16xf32, #tpu.memory_space<vmem>> -> memref<1x128x16xf32, #tpu.memory_space<vmem>>
        %dma_start3A_510 = tpu.memref_squeeze %dma_start3A_509 : memref<1x128x16xf32, #tpu.memory_space<vmem>> -> memref<128x16xf32, #tpu.memory_space<vmem>>
        %dma_start3A_511 = arith.constant 0 : i32
        %dma_start3A_512 = tpu.memref_slice %arg8[%add3A_505, %dma_start3A_511] : memref<98x128xi32, #tpu.memory_space<vmem>> -> memref<1x128xi32, #tpu.memory_space<vmem>>
        %dma_start3A_513 = tpu.memref_squeeze %dma_start3A_512 : memref<1x128xi32, #tpu.memory_space<vmem>> -> memref<128xi32, #tpu.memory_space<vmem>>
        %dma_start3A_514 = arith.constant 0 : i32
        %dma_start3A_515 = arith.constant 0 : i32
        %dma_start3A_516 = tpu.memref_slice %arg2[%dma_start3A_514, %dma_start3A_515] : memref<1048576x16xf32, #tpu.memory_space<hbm>> -> memref<1048576x16xf32, #tpu.memory_space<hbm>>
        tpu.enqueue_indirect_dma source(%dma_start3A_516 : memref<1048576x16xf32, #tpu.memory_space<hbm>>) target(%dma_start3A_510 : memref<128x16xf32, #tpu.memory_space<vmem>>) offsets(%dma_start3A_513 : memref<128xi32, #tpu.memory_space<vmem>>) semaphore(%arg11 : memref<!tpu.dma_semaphore, #tpu.memory_space<semaphore_mem>>)
        %mul3A_517 = arith.constant 7 : i32
        %mul3A_518 = arith.muli %add3A_486, %mul3A_517 : i32
        %add3A_519 = arith.constant 2 : i32
        %add3A_520 = arith.addi %mul3A_518, %add3A_519 : i32
        %dma_start3A_521 = arith.constant 2 : i32
        %dma_start3A_522 = arith.constant 0 : i32
        %dma_start3A_523 = arith.constant 0 : i32
        %dma_start3A_524 = tpu.memref_slice %arg9[%dma_start3A_521, %dma_start3A_522, %dma_start3A_523] : memref<7x128x16xf32, #tpu.memory_space<vmem>> -> memref<1x128x16xf32, #tpu.memory_space<vmem>>
        %dma_start3A_525 = tpu.memref_squeeze %dma_start3A_524 : memref<1x128x16xf32, #tpu.memory_space<vmem>> -> memref<128x16xf32, #tpu.memory_space<vmem>>
        %dma_start3A_526 = arith.constant 0 : i32
        %dma_start3A_527 = tpu.memref_slice %arg8[%add3A_520, %dma_start3A_526] : memref<98x128xi32, #tpu.memory_space<vmem>> -> memref<1x128xi32, #tpu.memory_space<vmem>>
        %dma_start3A_528 = tpu.memref_squeeze %dma_start3A_527 : memref<1x128xi32, #tpu.memory_space<vmem>> -> memref<128xi32, #tpu.memory_space<vmem>>
        %dma_start3A_529 = arith.constant 0 : i32
        %dma_start3A_530 = arith.constant 0 : i32
        %dma_start3A_531 = tpu.memref_slice %arg2[%dma_start3A_529, %dma_start3A_530] : memref<1048576x16xf32, #tpu.memory_space<hbm>> -> memref<1048576x16xf32, #tpu.memory_space<hbm>>
        tpu.enqueue_indirect_dma source(%dma_start3A_531 : memref<1048576x16xf32, #tpu.memory_space<hbm>>) target(%dma_start3A_525 : memref<128x16xf32, #tpu.memory_space<vmem>>) offsets(%dma_start3A_528 : memref<128xi32, #tpu.memory_space<vmem>>) semaphore(%arg11 : memref<!tpu.dma_semaphore, #tpu.memory_space<semaphore_mem>>)
        %mul3A_532 = arith.constant 7 : i32
        %mul3A_533 = arith.muli %add3A_486, %mul3A_532 : i32
        %add3A_534 = arith.constant 3 : i32
        %add3A_535 = arith.addi %mul3A_533, %add3A_534 : i32
        %dma_start3A_536 = arith.constant 3 : i32
        %dma_start3A_537 = arith.constant 0 : i32
        %dma_start3A_538 = arith.constant 0 : i32
        %dma_start3A_539 = tpu.memref_slice %arg9[%dma_start3A_536, %dma_start3A_537, %dma_start3A_538] : memref<7x128x16xf32, #tpu.memory_space<vmem>> -> memref<1x128x16xf32, #tpu.memory_space<vmem>>
        %dma_start3A_540 = tpu.memref_squeeze %dma_start3A_539 : memref<1x128x16xf32, #tpu.memory_space<vmem>> -> memref<128x16xf32, #tpu.memory_space<vmem>>
        %dma_start3A_541 = arith.constant 0 : i32
        %dma_start3A_542 = tpu.memref_slice %arg8[%add3A_535, %dma_start3A_541] : memref<98x128xi32, #tpu.memory_space<vmem>> -> memref<1x128xi32, #tpu.memory_space<vmem>>
        %dma_start3A_543 = tpu.memref_squeeze %dma_start3A_542 : memref<1x128xi32, #tpu.memory_space<vmem>> -> memref<128xi32, #tpu.memory_space<vmem>>
        %dma_start3A_544 = arith.constant 0 : i32
        %dma_start3A_545 = arith.constant 0 : i32
        %dma_start3A_546 = tpu.memref_slice %arg2[%dma_start3A_544, %dma_start3A_545] : memref<1048576x16xf32, #tpu.memory_space<hbm>> -> memref<1048576x16xf32, #tpu.memory_space<hbm>>
        tpu.enqueue_indirect_dma source(%dma_start3A_546 : memref<1048576x16xf32, #tpu.memory_space<hbm>>) target(%dma_start3A_540 : memref<128x16xf32, #tpu.memory_space<vmem>>) offsets(%dma_start3A_543 : memref<128xi32, #tpu.memory_space<vmem>>) semaphore(%arg11 : memref<!tpu.dma_semaphore, #tpu.memory_space<semaphore_mem>>)
        %mul3A_547 = arith.constant 7 : i32
        %mul3A_548 = arith.muli %add3A_486, %mul3A_547 : i32
        %add3A_549 = arith.constant 4 : i32
        %add3A_550 = arith.addi %mul3A_548, %add3A_549 : i32
        %dma_start3A_551 = arith.constant 4 : i32
        %dma_start3A_552 = arith.constant 0 : i32
        %dma_start3A_553 = arith.constant 0 : i32
        %dma_start3A_554 = tpu.memref_slice %arg9[%dma_start3A_551, %dma_start3A_552, %dma_start3A_553] : memref<7x128x16xf32, #tpu.memory_space<vmem>> -> memref<1x128x16xf32, #tpu.memory_space<vmem>>
        %dma_start3A_555 = tpu.memref_squeeze %dma_start3A_554 : memref<1x128x16xf32, #tpu.memory_space<vmem>> -> memref<128x16xf32, #tpu.memory_space<vmem>>
        %dma_start3A_556 = arith.constant 0 : i32
        %dma_start3A_557 = tpu.memref_slice %arg8[%add3A_550, %dma_start3A_556] : memref<98x128xi32, #tpu.memory_space<vmem>> -> memref<1x128xi32, #tpu.memory_space<vmem>>
        %dma_start3A_558 = tpu.memref_squeeze %dma_start3A_557 : memref<1x128xi32, #tpu.memory_space<vmem>> -> memref<128xi32, #tpu.memory_space<vmem>>
        %dma_start3A_559 = arith.constant 0 : i32
        %dma_start3A_560 = arith.constant 0 : i32
        %dma_start3A_561 = tpu.memref_slice %arg2[%dma_start3A_559, %dma_start3A_560] : memref<1048576x16xf32, #tpu.memory_space<hbm>> -> memref<1048576x16xf32, #tpu.memory_space<hbm>>
        tpu.enqueue_indirect_dma source(%dma_start3A_561 : memref<1048576x16xf32, #tpu.memory_space<hbm>>) target(%dma_start3A_555 : memref<128x16xf32, #tpu.memory_space<vmem>>) offsets(%dma_start3A_558 : memref<128xi32, #tpu.memory_space<vmem>>) semaphore(%arg11 : memref<!tpu.dma_semaphore, #tpu.memory_space<semaphore_mem>>)
        %mul3A_562 = arith.constant 7 : i32
        %mul3A_563 = arith.muli %add3A_486, %mul3A_562 : i32
        %add3A_564 = arith.constant 5 : i32
        %add3A_565 = arith.addi %mul3A_563, %add3A_564 : i32
        %dma_start3A_566 = arith.constant 5 : i32
        %dma_start3A_567 = arith.constant 0 : i32
        %dma_start3A_568 = arith.constant 0 : i32
        %dma_start3A_569 = tpu.memref_slice %arg9[%dma_start3A_566, %dma_start3A_567, %dma_start3A_568] : memref<7x128x16xf32, #tpu.memory_space<vmem>> -> memref<1x128x16xf32, #tpu.memory_space<vmem>>
        %dma_start3A_570 = tpu.memref_squeeze %dma_start3A_569 : memref<1x128x16xf32, #tpu.memory_space<vmem>> -> memref<128x16xf32, #tpu.memory_space<vmem>>
        %dma_start3A_571 = arith.constant 0 : i32
        %dma_start3A_572 = tpu.memref_slice %arg8[%add3A_565, %dma_start3A_571] : memref<98x128xi32, #tpu.memory_space<vmem>> -> memref<1x128xi32, #tpu.memory_space<vmem>>
        %dma_start3A_573 = tpu.memref_squeeze %dma_start3A_572 : memref<1x128xi32, #tpu.memory_space<vmem>> -> memref<128xi32, #tpu.memory_space<vmem>>
        %dma_start3A_574 = arith.constant 0 : i32
        %dma_start3A_575 = arith.constant 0 : i32
        %dma_start3A_576 = tpu.memref_slice %arg2[%dma_start3A_574, %dma_start3A_575] : memref<1048576x16xf32, #tpu.memory_space<hbm>> -> memref<1048576x16xf32, #tpu.memory_space<hbm>>
        tpu.enqueue_indirect_dma source(%dma_start3A_576 : memref<1048576x16xf32, #tpu.memory_space<hbm>>) target(%dma_start3A_570 : memref<128x16xf32, #tpu.memory_space<vmem>>) offsets(%dma_start3A_573 : memref<128xi32, #tpu.memory_space<vmem>>) semaphore(%arg11 : memref<!tpu.dma_semaphore, #tpu.memory_space<semaphore_mem>>)
        %mul3A_577 = arith.constant 7 : i32
        %mul3A_578 = arith.muli %add3A_486, %mul3A_577 : i32
        %add3A_579 = arith.constant 6 : i32
        %add3A_580 = arith.addi %mul3A_578, %add3A_579 : i32
        %dma_start3A_581 = arith.constant 6 : i32
        %dma_start3A_582 = arith.constant 0 : i32
        %dma_start3A_583 = arith.constant 0 : i32
        %dma_start3A_584 = tpu.memref_slice %arg9[%dma_start3A_581, %dma_start3A_582, %dma_start3A_583] : memref<7x128x16xf32, #tpu.memory_space<vmem>> -> memref<1x128x16xf32, #tpu.memory_space<vmem>>
        %dma_start3A_585 = tpu.memref_squeeze %dma_start3A_584 : memref<1x128x16xf32, #tpu.memory_space<vmem>> -> memref<128x16xf32, #tpu.memory_space<vmem>>
        %dma_start3A_586 = arith.constant 0 : i32
        %dma_start3A_587 = tpu.memref_slice %arg8[%add3A_580, %dma_start3A_586] : memref<98x128xi32, #tpu.memory_space<vmem>> -> memref<1x128xi32, #tpu.memory_space<vmem>>
        %dma_start3A_588 = tpu.memref_squeeze %dma_start3A_587 : memref<1x128xi32, #tpu.memory_space<vmem>> -> memref<128xi32, #tpu.memory_space<vmem>>
        %dma_start3A_589 = arith.constant 0 : i32
        %dma_start3A_590 = arith.constant 0 : i32
        %dma_start3A_591 = tpu.memref_slice %arg2[%dma_start3A_589, %dma_start3A_590] : memref<1048576x16xf32, #tpu.memory_space<hbm>> -> memref<1048576x16xf32, #tpu.memory_space<hbm>>
        tpu.enqueue_indirect_dma source(%dma_start3A_591 : memref<1048576x16xf32, #tpu.memory_space<hbm>>) target(%dma_start3A_585 : memref<128x16xf32, #tpu.memory_space<vmem>>) offsets(%dma_start3A_588 : memref<128xi32, #tpu.memory_space<vmem>>) semaphore(%arg11 : memref<!tpu.dma_semaphore, #tpu.memory_space<semaphore_mem>>)
      } else {
      }
      %add3A_349 = arith.constant 1 : i32
      %add3A_350 = arith.addi %mul3A_106, %add3A_349 : i32
      %mul3A_351 = arith.constant 7 : i32
      %mul3A_352 = arith.muli %add3A_350, %mul3A_351 : i32
      %add3A_353 = arith.constant 0 : i32
      %add3A_354 = arith.addi %mul3A_352, %add3A_353 : i32
      %dma_wait3A_355 = arith.constant 0 : i32
      %dma_wait3A_356 = arith.constant 0 : i32
      %dma_wait3A_357 = arith.constant 0 : i32
      %dma_wait3A_358 = tpu.memref_slice %arg10[%dma_wait3A_355, %dma_wait3A_356, %dma_wait3A_357] : memref<7x128x16xf32, #tpu.memory_space<vmem>> -> memref<1x128x16xf32, #tpu.memory_space<vmem>>
      %dma_wait3A_359 = tpu.memref_squeeze %dma_wait3A_358 : memref<1x128x16xf32, #tpu.memory_space<vmem>> -> memref<128x16xf32, #tpu.memory_space<vmem>>
      %dma_wait3A_360 = arith.constant 0 : i32
      %dma_wait3A_361 = tpu.memref_slice %arg8[%add3A_354, %dma_wait3A_360] : memref<98x128xi32, #tpu.memory_space<vmem>> -> memref<1x128xi32, #tpu.memory_space<vmem>>
      %dma_wait3A_362 = tpu.memref_squeeze %dma_wait3A_361 : memref<1x128xi32, #tpu.memory_space<vmem>> -> memref<128xi32, #tpu.memory_space<vmem>>
      %dma_wait3A_363 = arith.constant 0 : i32
      %dma_wait3A_364 = arith.constant 0 : i32
      %dma_wait3A_365 = tpu.memref_slice %arg2[%dma_wait3A_363, %dma_wait3A_364] : memref<1048576x16xf32, #tpu.memory_space<hbm>> -> memref<1048576x16xf32, #tpu.memory_space<hbm>>
      tpu.wait_indirect_dma semaphore(%arg12 : memref<!tpu.dma_semaphore, #tpu.memory_space<semaphore_mem>>) src(%dma_wait3A_365 : memref<1048576x16xf32, #tpu.memory_space<hbm>>) dst(%dma_wait3A_359 : memref<128x16xf32, #tpu.memory_space<vmem>>)
      %mul3A_366 = arith.constant 128 : i32
      %mul3A_367 = arith.muli %add3A_354, %mul3A_366 : i32
      %add3A_368 = arith.addi %min3A_3, %mul3A_367 : i32
      %run_scoped3A_369 = arith.constant 0 : i32
      "tpu.region"() ({
        %run_scoped3A_485 = tpu.sem_alloc : memref<!tpu.dma_semaphore, #tpu.memory_space<semaphore_mem>>
        %dma_start3A_486 = arith.constant 0 : i32
        %dma_start3A_487 = arith.constant 0 : i32
        %dma_start3A_488 = tpu.memref_slice %arg10[%run_scoped3A_369, %dma_start3A_486, %dma_start3A_487] : memref<7x128x16xf32, #tpu.memory_space<vmem>> -> memref<1x128x16xf32, #tpu.memory_space<vmem>>
        %dma_start3A_489 = tpu.memref_squeeze %dma_start3A_488 : memref<1x128x16xf32, #tpu.memory_space<vmem>> -> memref<128x16xf32, #tpu.memory_space<vmem>>
        %dma_start3A_490 = arith.constant 0 : i32
        %dma_start3A_491 = tpu.memref_slice %arg5[%add3A_368, %dma_start3A_490] : memref<400000x16xf32, #tpu.memory_space<hbm>> -> memref<128x16xf32, #tpu.memory_space<hbm>>
        %dma_start3A_492 = arith.constant 0 : i32
        %dma_start3A_493 = tpu.memref_slice %arg5[%add3A_368, %dma_start3A_492] : memref<400000x16xf32, #tpu.memory_space<hbm>> -> memref<128x16xf32, #tpu.memory_space<hbm>>
        %dma_start3A_494 = arith.constant 0 : i32
        %dma_start3A_495 = arith.constant 0 : i32
        %dma_start3A_496 = tpu.memref_slice %arg10[%run_scoped3A_369, %dma_start3A_494, %dma_start3A_495] : memref<7x128x16xf32, #tpu.memory_space<vmem>> -> memref<1x128x16xf32, #tpu.memory_space<vmem>>
        %dma_start3A_497 = tpu.memref_squeeze %dma_start3A_496 : memref<1x128x16xf32, #tpu.memory_space<vmem>> -> memref<128x16xf32, #tpu.memory_space<vmem>>
        tpu.enqueue_dma source(%dma_start3A_497 : memref<128x16xf32, #tpu.memory_space<vmem>>) target(%dma_start3A_493 : memref<128x16xf32, #tpu.memory_space<hbm>>) target_semaphore(%run_scoped3A_485 : memref<!tpu.dma_semaphore, #tpu.memory_space<semaphore_mem>>)
        %dma_wait3A_498 = arith.constant 0 : i32
        %dma_wait3A_499 = arith.constant 0 : i32
        %dma_wait3A_500 = tpu.memref_slice %arg10[%run_scoped3A_369, %dma_wait3A_498, %dma_wait3A_499] : memref<7x128x16xf32, #tpu.memory_space<vmem>> -> memref<1x128x16xf32, #tpu.memory_space<vmem>>
        %dma_wait3A_501 = tpu.memref_squeeze %dma_wait3A_500 : memref<1x128x16xf32, #tpu.memory_space<vmem>> -> memref<128x16xf32, #tpu.memory_space<vmem>>
        %dma_wait3A_502 = arith.constant 0 : i32
        %dma_wait3A_503 = tpu.memref_slice %arg5[%add3A_368, %dma_wait3A_502] : memref<400000x16xf32, #tpu.memory_space<hbm>> -> memref<128x16xf32, #tpu.memory_space<hbm>>
        %dma_wait3A_504 = arith.constant 0 : i32
        %dma_wait3A_505 = tpu.memref_slice %arg5[%add3A_368, %dma_wait3A_504] : memref<400000x16xf32, #tpu.memory_space<hbm>> -> memref<128x16xf32, #tpu.memory_space<hbm>>
        %dma_wait3A_506 = arith.constant 0 : i32
        %dma_wait3A_507 = arith.constant 0 : i32
        %dma_wait3A_508 = tpu.memref_slice %arg10[%run_scoped3A_369, %dma_wait3A_506, %dma_wait3A_507] : memref<7x128x16xf32, #tpu.memory_space<vmem>> -> memref<1x128x16xf32, #tpu.memory_space<vmem>>
        %dma_wait3A_509 = tpu.memref_squeeze %dma_wait3A_508 : memref<1x128x16xf32, #tpu.memory_space<vmem>> -> memref<128x16xf32, #tpu.memory_space<vmem>>
        tpu.wait_dma2 semaphore(%run_scoped3A_485 : memref<!tpu.dma_semaphore, #tpu.memory_space<semaphore_mem>>) src(%dma_wait3A_509 : memref<128x16xf32, #tpu.memory_space<vmem>>) dst(%dma_wait3A_505 : memref<128x16xf32, #tpu.memory_space<hbm>>)
        tpu.yield
      }) : () -> ()
      %mul3A_370 = arith.constant 7 : i32
      %mul3A_371 = arith.muli %add3A_350, %mul3A_370 : i32
      %add3A_372 = arith.constant 1 : i32
      %add3A_373 = arith.addi %mul3A_371, %add3A_372 : i32
      %dma_wait3A_374 = arith.constant 1 : i32
      %dma_wait3A_375 = arith.constant 0 : i32
      %dma_wait3A_376 = arith.constant 0 : i32
      %dma_wait3A_377 = tpu.memref_slice %arg10[%dma_wait3A_374, %dma_wait3A_375, %dma_wait3A_376] : memref<7x128x16xf32, #tpu.memory_space<vmem>> -> memref<1x128x16xf32, #tpu.memory_space<vmem>>
      %dma_wait3A_378 = tpu.memref_squeeze %dma_wait3A_377 : memref<1x128x16xf32, #tpu.memory_space<vmem>> -> memref<128x16xf32, #tpu.memory_space<vmem>>
      %dma_wait3A_379 = arith.constant 0 : i32
      %dma_wait3A_380 = tpu.memref_slice %arg8[%add3A_373, %dma_wait3A_379] : memref<98x128xi32, #tpu.memory_space<vmem>> -> memref<1x128xi32, #tpu.memory_space<vmem>>
      %dma_wait3A_381 = tpu.memref_squeeze %dma_wait3A_380 : memref<1x128xi32, #tpu.memory_space<vmem>> -> memref<128xi32, #tpu.memory_space<vmem>>
      %dma_wait3A_382 = arith.constant 0 : i32
      %dma_wait3A_383 = arith.constant 0 : i32
      %dma_wait3A_384 = tpu.memref_slice %arg2[%dma_wait3A_382, %dma_wait3A_383] : memref<1048576x16xf32, #tpu.memory_space<hbm>> -> memref<1048576x16xf32, #tpu.memory_space<hbm>>
      tpu.wait_indirect_dma semaphore(%arg12 : memref<!tpu.dma_semaphore, #tpu.memory_space<semaphore_mem>>) src(%dma_wait3A_384 : memref<1048576x16xf32, #tpu.memory_space<hbm>>) dst(%dma_wait3A_378 : memref<128x16xf32, #tpu.memory_space<vmem>>)
      %mul3A_385 = arith.constant 128 : i32
      %mul3A_386 = arith.muli %add3A_373, %mul3A_385 : i32
      %add3A_387 = arith.addi %min3A_3, %mul3A_386 : i32
      %run_scoped3A_388 = arith.constant 1 : i32
      "tpu.region"() ({
        %run_scoped3A_485 = tpu.sem_alloc : memref<!tpu.dma_semaphore, #tpu.memory_space<semaphore_mem>>
        %dma_start3A_486 = arith.constant 0 : i32
        %dma_start3A_487 = arith.constant 0 : i32
        %dma_start3A_488 = tpu.memref_slice %arg10[%run_scoped3A_388, %dma_start3A_486, %dma_start3A_487] : memref<7x128x16xf32, #tpu.memory_space<vmem>> -> memref<1x128x16xf32, #tpu.memory_space<vmem>>
        %dma_start3A_489 = tpu.memref_squeeze %dma_start3A_488 : memref<1x128x16xf32, #tpu.memory_space<vmem>> -> memref<128x16xf32, #tpu.memory_space<vmem>>
        %dma_start3A_490 = arith.constant 0 : i32
        %dma_start3A_491 = tpu.memref_slice %arg5[%add3A_387, %dma_start3A_490] : memref<400000x16xf32, #tpu.memory_space<hbm>> -> memref<128x16xf32, #tpu.memory_space<hbm>>
        %dma_start3A_492 = arith.constant 0 : i32
        %dma_start3A_493 = tpu.memref_slice %arg5[%add3A_387, %dma_start3A_492] : memref<400000x16xf32, #tpu.memory_space<hbm>> -> memref<128x16xf32, #tpu.memory_space<hbm>>
        %dma_start3A_494 = arith.constant 0 : i32
        %dma_start3A_495 = arith.constant 0 : i32
        %dma_start3A_496 = tpu.memref_slice %arg10[%run_scoped3A_388, %dma_start3A_494, %dma_start3A_495] : memref<7x128x16xf32, #tpu.memory_space<vmem>> -> memref<1x128x16xf32, #tpu.memory_space<vmem>>
        %dma_start3A_497 = tpu.memref_squeeze %dma_start3A_496 : memref<1x128x16xf32, #tpu.memory_space<vmem>> -> memref<128x16xf32, #tpu.memory_space<vmem>>
        tpu.enqueue_dma source(%dma_start3A_497 : memref<128x16xf32, #tpu.memory_space<vmem>>) target(%dma_start3A_493 : memref<128x16xf32, #tpu.memory_space<hbm>>) target_semaphore(%run_scoped3A_485 : memref<!tpu.dma_semaphore, #tpu.memory_space<semaphore_mem>>)
        %dma_wait3A_498 = arith.constant 0 : i32
        %dma_wait3A_499 = arith.constant 0 : i32
        %dma_wait3A_500 = tpu.memref_slice %arg10[%run_scoped3A_388, %dma_wait3A_498, %dma_wait3A_499] : memref<7x128x16xf32, #tpu.memory_space<vmem>> -> memref<1x128x16xf32, #tpu.memory_space<vmem>>
        %dma_wait3A_501 = tpu.memref_squeeze %dma_wait3A_500 : memref<1x128x16xf32, #tpu.memory_space<vmem>> -> memref<128x16xf32, #tpu.memory_space<vmem>>
        %dma_wait3A_502 = arith.constant 0 : i32
        %dma_wait3A_503 = tpu.memref_slice %arg5[%add3A_387, %dma_wait3A_502] : memref<400000x16xf32, #tpu.memory_space<hbm>> -> memref<128x16xf32, #tpu.memory_space<hbm>>
        %dma_wait3A_504 = arith.constant 0 : i32
        %dma_wait3A_505 = tpu.memref_slice %arg5[%add3A_387, %dma_wait3A_504] : memref<400000x16xf32, #tpu.memory_space<hbm>> -> memref<128x16xf32, #tpu.memory_space<hbm>>
        %dma_wait3A_506 = arith.constant 0 : i32
        %dma_wait3A_507 = arith.constant 0 : i32
        %dma_wait3A_508 = tpu.memref_slice %arg10[%run_scoped3A_388, %dma_wait3A_506, %dma_wait3A_507] : memref<7x128x16xf32, #tpu.memory_space<vmem>> -> memref<1x128x16xf32, #tpu.memory_space<vmem>>
        %dma_wait3A_509 = tpu.memref_squeeze %dma_wait3A_508 : memref<1x128x16xf32, #tpu.memory_space<vmem>> -> memref<128x16xf32, #tpu.memory_space<vmem>>
        tpu.wait_dma2 semaphore(%run_scoped3A_485 : memref<!tpu.dma_semaphore, #tpu.memory_space<semaphore_mem>>) src(%dma_wait3A_509 : memref<128x16xf32, #tpu.memory_space<vmem>>) dst(%dma_wait3A_505 : memref<128x16xf32, #tpu.memory_space<hbm>>)
        tpu.yield
      }) : () -> ()
      %mul3A_389 = arith.constant 7 : i32
      %mul3A_390 = arith.muli %add3A_350, %mul3A_389 : i32
      %add3A_391 = arith.constant 2 : i32
      %add3A_392 = arith.addi %mul3A_390, %add3A_391 : i32
      %dma_wait3A_393 = arith.constant 2 : i32
      %dma_wait3A_394 = arith.constant 0 : i32
      %dma_wait3A_395 = arith.constant 0 : i32
      %dma_wait3A_396 = tpu.memref_slice %arg10[%dma_wait3A_393, %dma_wait3A_394, %dma_wait3A_395] : memref<7x128x16xf32, #tpu.memory_space<vmem>> -> memref<1x128x16xf32, #tpu.memory_space<vmem>>
      %dma_wait3A_397 = tpu.memref_squeeze %dma_wait3A_396 : memref<1x128x16xf32, #tpu.memory_space<vmem>> -> memref<128x16xf32, #tpu.memory_space<vmem>>
      %dma_wait3A_398 = arith.constant 0 : i32
      %dma_wait3A_399 = tpu.memref_slice %arg8[%add3A_392, %dma_wait3A_398] : memref<98x128xi32, #tpu.memory_space<vmem>> -> memref<1x128xi32, #tpu.memory_space<vmem>>
      %dma_wait3A_400 = tpu.memref_squeeze %dma_wait3A_399 : memref<1x128xi32, #tpu.memory_space<vmem>> -> memref<128xi32, #tpu.memory_space<vmem>>
      %dma_wait3A_401 = arith.constant 0 : i32
      %dma_wait3A_402 = arith.constant 0 : i32
      %dma_wait3A_403 = tpu.memref_slice %arg2[%dma_wait3A_401, %dma_wait3A_402] : memref<1048576x16xf32, #tpu.memory_space<hbm>> -> memref<1048576x16xf32, #tpu.memory_space<hbm>>
      tpu.wait_indirect_dma semaphore(%arg12 : memref<!tpu.dma_semaphore, #tpu.memory_space<semaphore_mem>>) src(%dma_wait3A_403 : memref<1048576x16xf32, #tpu.memory_space<hbm>>) dst(%dma_wait3A_397 : memref<128x16xf32, #tpu.memory_space<vmem>>)
      %mul3A_404 = arith.constant 128 : i32
      %mul3A_405 = arith.muli %add3A_392, %mul3A_404 : i32
      %add3A_406 = arith.addi %min3A_3, %mul3A_405 : i32
      %run_scoped3A_407 = arith.constant 2 : i32
      "tpu.region"() ({
        %run_scoped3A_485 = tpu.sem_alloc : memref<!tpu.dma_semaphore, #tpu.memory_space<semaphore_mem>>
        %dma_start3A_486 = arith.constant 0 : i32
        %dma_start3A_487 = arith.constant 0 : i32
        %dma_start3A_488 = tpu.memref_slice %arg10[%run_scoped3A_407, %dma_start3A_486, %dma_start3A_487] : memref<7x128x16xf32, #tpu.memory_space<vmem>> -> memref<1x128x16xf32, #tpu.memory_space<vmem>>
        %dma_start3A_489 = tpu.memref_squeeze %dma_start3A_488 : memref<1x128x16xf32, #tpu.memory_space<vmem>> -> memref<128x16xf32, #tpu.memory_space<vmem>>
        %dma_start3A_490 = arith.constant 0 : i32
        %dma_start3A_491 = tpu.memref_slice %arg5[%add3A_406, %dma_start3A_490] : memref<400000x16xf32, #tpu.memory_space<hbm>> -> memref<128x16xf32, #tpu.memory_space<hbm>>
        %dma_start3A_492 = arith.constant 0 : i32
        %dma_start3A_493 = tpu.memref_slice %arg5[%add3A_406, %dma_start3A_492] : memref<400000x16xf32, #tpu.memory_space<hbm>> -> memref<128x16xf32, #tpu.memory_space<hbm>>
        %dma_start3A_494 = arith.constant 0 : i32
        %dma_start3A_495 = arith.constant 0 : i32
        %dma_start3A_496 = tpu.memref_slice %arg10[%run_scoped3A_407, %dma_start3A_494, %dma_start3A_495] : memref<7x128x16xf32, #tpu.memory_space<vmem>> -> memref<1x128x16xf32, #tpu.memory_space<vmem>>
        %dma_start3A_497 = tpu.memref_squeeze %dma_start3A_496 : memref<1x128x16xf32, #tpu.memory_space<vmem>> -> memref<128x16xf32, #tpu.memory_space<vmem>>
        tpu.enqueue_dma source(%dma_start3A_497 : memref<128x16xf32, #tpu.memory_space<vmem>>) target(%dma_start3A_493 : memref<128x16xf32, #tpu.memory_space<hbm>>) target_semaphore(%run_scoped3A_485 : memref<!tpu.dma_semaphore, #tpu.memory_space<semaphore_mem>>)
        %dma_wait3A_498 = arith.constant 0 : i32
        %dma_wait3A_499 = arith.constant 0 : i32
        %dma_wait3A_500 = tpu.memref_slice %arg10[%run_scoped3A_407, %dma_wait3A_498, %dma_wait3A_499] : memref<7x128x16xf32, #tpu.memory_space<vmem>> -> memref<1x128x16xf32, #tpu.memory_space<vmem>>
        %dma_wait3A_501 = tpu.memref_squeeze %dma_wait3A_500 : memref<1x128x16xf32, #tpu.memory_space<vmem>> -> memref<128x16xf32, #tpu.memory_space<vmem>>
        %dma_wait3A_502 = arith.constant 0 : i32
        %dma_wait3A_503 = tpu.memref_slice %arg5[%add3A_406, %dma_wait3A_502] : memref<400000x16xf32, #tpu.memory_space<hbm>> -> memref<128x16xf32, #tpu.memory_space<hbm>>
        %dma_wait3A_504 = arith.constant 0 : i32
        %dma_wait3A_505 = tpu.memref_slice %arg5[%add3A_406, %dma_wait3A_504] : memref<400000x16xf32, #tpu.memory_space<hbm>> -> memref<128x16xf32, #tpu.memory_space<hbm>>
        %dma_wait3A_506 = arith.constant 0 : i32
        %dma_wait3A_507 = arith.constant 0 : i32
        %dma_wait3A_508 = tpu.memref_slice %arg10[%run_scoped3A_407, %dma_wait3A_506, %dma_wait3A_507] : memref<7x128x16xf32, #tpu.memory_space<vmem>> -> memref<1x128x16xf32, #tpu.memory_space<vmem>>
        %dma_wait3A_509 = tpu.memref_squeeze %dma_wait3A_508 : memref<1x128x16xf32, #tpu.memory_space<vmem>> -> memref<128x16xf32, #tpu.memory_space<vmem>>
        tpu.wait_dma2 semaphore(%run_scoped3A_485 : memref<!tpu.dma_semaphore, #tpu.memory_space<semaphore_mem>>) src(%dma_wait3A_509 : memref<128x16xf32, #tpu.memory_space<vmem>>) dst(%dma_wait3A_505 : memref<128x16xf32, #tpu.memory_space<hbm>>)
        tpu.yield
      }) : () -> ()
      %mul3A_408 = arith.constant 7 : i32
      %mul3A_409 = arith.muli %add3A_350, %mul3A_408 : i32
      %add3A_410 = arith.constant 3 : i32
      %add3A_411 = arith.addi %mul3A_409, %add3A_410 : i32
      %dma_wait3A_412 = arith.constant 3 : i32
      %dma_wait3A_413 = arith.constant 0 : i32
      %dma_wait3A_414 = arith.constant 0 : i32
      %dma_wait3A_415 = tpu.memref_slice %arg10[%dma_wait3A_412, %dma_wait3A_413, %dma_wait3A_414] : memref<7x128x16xf32, #tpu.memory_space<vmem>> -> memref<1x128x16xf32, #tpu.memory_space<vmem>>
      %dma_wait3A_416 = tpu.memref_squeeze %dma_wait3A_415 : memref<1x128x16xf32, #tpu.memory_space<vmem>> -> memref<128x16xf32, #tpu.memory_space<vmem>>
      %dma_wait3A_417 = arith.constant 0 : i32
      %dma_wait3A_418 = tpu.memref_slice %arg8[%add3A_411, %dma_wait3A_417] : memref<98x128xi32, #tpu.memory_space<vmem>> -> memref<1x128xi32, #tpu.memory_space<vmem>>
      %dma_wait3A_419 = tpu.memref_squeeze %dma_wait3A_418 : memref<1x128xi32, #tpu.memory_space<vmem>> -> memref<128xi32, #tpu.memory_space<vmem>>
      %dma_wait3A_420 = arith.constant 0 : i32
      %dma_wait3A_421 = arith.constant 0 : i32
      %dma_wait3A_422 = tpu.memref_slice %arg2[%dma_wait3A_420, %dma_wait3A_421] : memref<1048576x16xf32, #tpu.memory_space<hbm>> -> memref<1048576x16xf32, #tpu.memory_space<hbm>>
      tpu.wait_indirect_dma semaphore(%arg12 : memref<!tpu.dma_semaphore, #tpu.memory_space<semaphore_mem>>) src(%dma_wait3A_422 : memref<1048576x16xf32, #tpu.memory_space<hbm>>) dst(%dma_wait3A_416 : memref<128x16xf32, #tpu.memory_space<vmem>>)
      %mul3A_423 = arith.constant 128 : i32
      %mul3A_424 = arith.muli %add3A_411, %mul3A_423 : i32
      %add3A_425 = arith.addi %min3A_3, %mul3A_424 : i32
      %run_scoped3A_426 = arith.constant 3 : i32
      "tpu.region"() ({
        %run_scoped3A_485 = tpu.sem_alloc : memref<!tpu.dma_semaphore, #tpu.memory_space<semaphore_mem>>
        %dma_start3A_486 = arith.constant 0 : i32
        %dma_start3A_487 = arith.constant 0 : i32
        %dma_start3A_488 = tpu.memref_slice %arg10[%run_scoped3A_426, %dma_start3A_486, %dma_start3A_487] : memref<7x128x16xf32, #tpu.memory_space<vmem>> -> memref<1x128x16xf32, #tpu.memory_space<vmem>>
        %dma_start3A_489 = tpu.memref_squeeze %dma_start3A_488 : memref<1x128x16xf32, #tpu.memory_space<vmem>> -> memref<128x16xf32, #tpu.memory_space<vmem>>
        %dma_start3A_490 = arith.constant 0 : i32
        %dma_start3A_491 = tpu.memref_slice %arg5[%add3A_425, %dma_start3A_490] : memref<400000x16xf32, #tpu.memory_space<hbm>> -> memref<128x16xf32, #tpu.memory_space<hbm>>
        %dma_start3A_492 = arith.constant 0 : i32
        %dma_start3A_493 = tpu.memref_slice %arg5[%add3A_425, %dma_start3A_492] : memref<400000x16xf32, #tpu.memory_space<hbm>> -> memref<128x16xf32, #tpu.memory_space<hbm>>
        %dma_start3A_494 = arith.constant 0 : i32
        %dma_start3A_495 = arith.constant 0 : i32
        %dma_start3A_496 = tpu.memref_slice %arg10[%run_scoped3A_426, %dma_start3A_494, %dma_start3A_495] : memref<7x128x16xf32, #tpu.memory_space<vmem>> -> memref<1x128x16xf32, #tpu.memory_space<vmem>>
        %dma_start3A_497 = tpu.memref_squeeze %dma_start3A_496 : memref<1x128x16xf32, #tpu.memory_space<vmem>> -> memref<128x16xf32, #tpu.memory_space<vmem>>
        tpu.enqueue_dma source(%dma_start3A_497 : memref<128x16xf32, #tpu.memory_space<vmem>>) target(%dma_start3A_493 : memref<128x16xf32, #tpu.memory_space<hbm>>) target_semaphore(%run_scoped3A_485 : memref<!tpu.dma_semaphore, #tpu.memory_space<semaphore_mem>>)
        %dma_wait3A_498 = arith.constant 0 : i32
        %dma_wait3A_499 = arith.constant 0 : i32
        %dma_wait3A_500 = tpu.memref_slice %arg10[%run_scoped3A_426, %dma_wait3A_498, %dma_wait3A_499] : memref<7x128x16xf32, #tpu.memory_space<vmem>> -> memref<1x128x16xf32, #tpu.memory_space<vmem>>
        %dma_wait3A_501 = tpu.memref_squeeze %dma_wait3A_500 : memref<1x128x16xf32, #tpu.memory_space<vmem>> -> memref<128x16xf32, #tpu.memory_space<vmem>>
        %dma_wait3A_502 = arith.constant 0 : i32
        %dma_wait3A_503 = tpu.memref_slice %arg5[%add3A_425, %dma_wait3A_502] : memref<400000x16xf32, #tpu.memory_space<hbm>> -> memref<128x16xf32, #tpu.memory_space<hbm>>
        %dma_wait3A_504 = arith.constant 0 : i32
        %dma_wait3A_505 = tpu.memref_slice %arg5[%add3A_425, %dma_wait3A_504] : memref<400000x16xf32, #tpu.memory_space<hbm>> -> memref<128x16xf32, #tpu.memory_space<hbm>>
        %dma_wait3A_506 = arith.constant 0 : i32
        %dma_wait3A_507 = arith.constant 0 : i32
        %dma_wait3A_508 = tpu.memref_slice %arg10[%run_scoped3A_426, %dma_wait3A_506, %dma_wait3A_507] : memref<7x128x16xf32, #tpu.memory_space<vmem>> -> memref<1x128x16xf32, #tpu.memory_space<vmem>>
        %dma_wait3A_509 = tpu.memref_squeeze %dma_wait3A_508 : memref<1x128x16xf32, #tpu.memory_space<vmem>> -> memref<128x16xf32, #tpu.memory_space<vmem>>
        tpu.wait_dma2 semaphore(%run_scoped3A_485 : memref<!tpu.dma_semaphore, #tpu.memory_space<semaphore_mem>>) src(%dma_wait3A_509 : memref<128x16xf32, #tpu.memory_space<vmem>>) dst(%dma_wait3A_505 : memref<128x16xf32, #tpu.memory_space<hbm>>)
        tpu.yield
      }) : () -> ()
      %mul3A_427 = arith.constant 7 : i32
      %mul3A_428 = arith.muli %add3A_350, %mul3A_427 : i32
      %add3A_429 = arith.constant 4 : i32
      %add3A_430 = arith.addi %mul3A_428, %add3A_429 : i32
      %dma_wait3A_431 = arith.constant 4 : i32
      %dma_wait3A_432 = arith.constant 0 : i32
      %dma_wait3A_433 = arith.constant 0 : i32
      %dma_wait3A_434 = tpu.memref_slice %arg10[%dma_wait3A_431, %dma_wait3A_432, %dma_wait3A_433] : memref<7x128x16xf32, #tpu.memory_space<vmem>> -> memref<1x128x16xf32, #tpu.memory_space<vmem>>
      %dma_wait3A_435 = tpu.memref_squeeze %dma_wait3A_434 : memref<1x128x16xf32, #tpu.memory_space<vmem>> -> memref<128x16xf32, #tpu.memory_space<vmem>>
      %dma_wait3A_436 = arith.constant 0 : i32
      %dma_wait3A_437 = tpu.memref_slice %arg8[%add3A_430, %dma_wait3A_436] : memref<98x128xi32, #tpu.memory_space<vmem>> -> memref<1x128xi32, #tpu.memory_space<vmem>>
      %dma_wait3A_438 = tpu.memref_squeeze %dma_wait3A_437 : memref<1x128xi32, #tpu.memory_space<vmem>> -> memref<128xi32, #tpu.memory_space<vmem>>
      %dma_wait3A_439 = arith.constant 0 : i32
      %dma_wait3A_440 = arith.constant 0 : i32
      %dma_wait3A_441 = tpu.memref_slice %arg2[%dma_wait3A_439, %dma_wait3A_440] : memref<1048576x16xf32, #tpu.memory_space<hbm>> -> memref<1048576x16xf32, #tpu.memory_space<hbm>>
      tpu.wait_indirect_dma semaphore(%arg12 : memref<!tpu.dma_semaphore, #tpu.memory_space<semaphore_mem>>) src(%dma_wait3A_441 : memref<1048576x16xf32, #tpu.memory_space<hbm>>) dst(%dma_wait3A_435 : memref<128x16xf32, #tpu.memory_space<vmem>>)
      %mul3A_442 = arith.constant 128 : i32
      %mul3A_443 = arith.muli %add3A_430, %mul3A_442 : i32
      %add3A_444 = arith.addi %min3A_3, %mul3A_443 : i32
      %run_scoped3A_445 = arith.constant 4 : i32
      "tpu.region"() ({
        %run_scoped3A_485 = tpu.sem_alloc : memref<!tpu.dma_semaphore, #tpu.memory_space<semaphore_mem>>
        %dma_start3A_486 = arith.constant 0 : i32
        %dma_start3A_487 = arith.constant 0 : i32
        %dma_start3A_488 = tpu.memref_slice %arg10[%run_scoped3A_445, %dma_start3A_486, %dma_start3A_487] : memref<7x128x16xf32, #tpu.memory_space<vmem>> -> memref<1x128x16xf32, #tpu.memory_space<vmem>>
        %dma_start3A_489 = tpu.memref_squeeze %dma_start3A_488 : memref<1x128x16xf32, #tpu.memory_space<vmem>> -> memref<128x16xf32, #tpu.memory_space<vmem>>
        %dma_start3A_490 = arith.constant 0 : i32
        %dma_start3A_491 = tpu.memref_slice %arg5[%add3A_444, %dma_start3A_490] : memref<400000x16xf32, #tpu.memory_space<hbm>> -> memref<128x16xf32, #tpu.memory_space<hbm>>
        %dma_start3A_492 = arith.constant 0 : i32
        %dma_start3A_493 = tpu.memref_slice %arg5[%add3A_444, %dma_start3A_492] : memref<400000x16xf32, #tpu.memory_space<hbm>> -> memref<128x16xf32, #tpu.memory_space<hbm>>
        %dma_start3A_494 = arith.constant 0 : i32
        %dma_start3A_495 = arith.constant 0 : i32
        %dma_start3A_496 = tpu.memref_slice %arg10[%run_scoped3A_445, %dma_start3A_494, %dma_start3A_495] : memref<7x128x16xf32, #tpu.memory_space<vmem>> -> memref<1x128x16xf32, #tpu.memory_space<vmem>>
        %dma_start3A_497 = tpu.memref_squeeze %dma_start3A_496 : memref<1x128x16xf32, #tpu.memory_space<vmem>> -> memref<128x16xf32, #tpu.memory_space<vmem>>
        tpu.enqueue_dma source(%dma_start3A_497 : memref<128x16xf32, #tpu.memory_space<vmem>>) target(%dma_start3A_493 : memref<128x16xf32, #tpu.memory_space<hbm>>) target_semaphore(%run_scoped3A_485 : memref<!tpu.dma_semaphore, #tpu.memory_space<semaphore_mem>>)
        %dma_wait3A_498 = arith.constant 0 : i32
        %dma_wait3A_499 = arith.constant 0 : i32
        %dma_wait3A_500 = tpu.memref_slice %arg10[%run_scoped3A_445, %dma_wait3A_498, %dma_wait3A_499] : memref<7x128x16xf32, #tpu.memory_space<vmem>> -> memref<1x128x16xf32, #tpu.memory_space<vmem>>
        %dma_wait3A_501 = tpu.memref_squeeze %dma_wait3A_500 : memref<1x128x16xf32, #tpu.memory_space<vmem>> -> memref<128x16xf32, #tpu.memory_space<vmem>>
        %dma_wait3A_502 = arith.constant 0 : i32
        %dma_wait3A_503 = tpu.memref_slice %arg5[%add3A_444, %dma_wait3A_502] : memref<400000x16xf32, #tpu.memory_space<hbm>> -> memref<128x16xf32, #tpu.memory_space<hbm>>
        %dma_wait3A_504 = arith.constant 0 : i32
        %dma_wait3A_505 = tpu.memref_slice %arg5[%add3A_444, %dma_wait3A_504] : memref<400000x16xf32, #tpu.memory_space<hbm>> -> memref<128x16xf32, #tpu.memory_space<hbm>>
        %dma_wait3A_506 = arith.constant 0 : i32
        %dma_wait3A_507 = arith.constant 0 : i32
        %dma_wait3A_508 = tpu.memref_slice %arg10[%run_scoped3A_445, %dma_wait3A_506, %dma_wait3A_507] : memref<7x128x16xf32, #tpu.memory_space<vmem>> -> memref<1x128x16xf32, #tpu.memory_space<vmem>>
        %dma_wait3A_509 = tpu.memref_squeeze %dma_wait3A_508 : memref<1x128x16xf32, #tpu.memory_space<vmem>> -> memref<128x16xf32, #tpu.memory_space<vmem>>
        tpu.wait_dma2 semaphore(%run_scoped3A_485 : memref<!tpu.dma_semaphore, #tpu.memory_space<semaphore_mem>>) src(%dma_wait3A_509 : memref<128x16xf32, #tpu.memory_space<vmem>>) dst(%dma_wait3A_505 : memref<128x16xf32, #tpu.memory_space<hbm>>)
        tpu.yield
      }) : () -> ()
      %mul3A_446 = arith.constant 7 : i32
      %mul3A_447 = arith.muli %add3A_350, %mul3A_446 : i32
      %add3A_448 = arith.constant 5 : i32
      %add3A_449 = arith.addi %mul3A_447, %add3A_448 : i32
      %dma_wait3A_450 = arith.constant 5 : i32
      %dma_wait3A_451 = arith.constant 0 : i32
      %dma_wait3A_452 = arith.constant 0 : i32
      %dma_wait3A_453 = tpu.memref_slice %arg10[%dma_wait3A_450, %dma_wait3A_451, %dma_wait3A_452] : memref<7x128x16xf32, #tpu.memory_space<vmem>> -> memref<1x128x16xf32, #tpu.memory_space<vmem>>
      %dma_wait3A_454 = tpu.memref_squeeze %dma_wait3A_453 : memref<1x128x16xf32, #tpu.memory_space<vmem>> -> memref<128x16xf32, #tpu.memory_space<vmem>>
      %dma_wait3A_455 = arith.constant 0 : i32
      %dma_wait3A_456 = tpu.memref_slice %arg8[%add3A_449, %dma_wait3A_455] : memref<98x128xi32, #tpu.memory_space<vmem>> -> memref<1x128xi32, #tpu.memory_space<vmem>>
      %dma_wait3A_457 = tpu.memref_squeeze %dma_wait3A_456 : memref<1x128xi32, #tpu.memory_space<vmem>> -> memref<128xi32, #tpu.memory_space<vmem>>
      %dma_wait3A_458 = arith.constant 0 : i32
      %dma_wait3A_459 = arith.constant 0 : i32
      %dma_wait3A_460 = tpu.memref_slice %arg2[%dma_wait3A_458, %dma_wait3A_459] : memref<1048576x16xf32, #tpu.memory_space<hbm>> -> memref<1048576x16xf32, #tpu.memory_space<hbm>>
      tpu.wait_indirect_dma semaphore(%arg12 : memref<!tpu.dma_semaphore, #tpu.memory_space<semaphore_mem>>) src(%dma_wait3A_460 : memref<1048576x16xf32, #tpu.memory_space<hbm>>) dst(%dma_wait3A_454 : memref<128x16xf32, #tpu.memory_space<vmem>>)
      %mul3A_461 = arith.constant 128 : i32
      %mul3A_462 = arith.muli %add3A_449, %mul3A_461 : i32
      %add3A_463 = arith.addi %min3A_3, %mul3A_462 : i32
      %run_scoped3A_464 = arith.constant 5 : i32
      "tpu.region"() ({
        %run_scoped3A_485 = tpu.sem_alloc : memref<!tpu.dma_semaphore, #tpu.memory_space<semaphore_mem>>
        %dma_start3A_486 = arith.constant 0 : i32
        %dma_start3A_487 = arith.constant 0 : i32
        %dma_start3A_488 = tpu.memref_slice %arg10[%run_scoped3A_464, %dma_start3A_486, %dma_start3A_487] : memref<7x128x16xf32, #tpu.memory_space<vmem>> -> memref<1x128x16xf32, #tpu.memory_space<vmem>>
        %dma_start3A_489 = tpu.memref_squeeze %dma_start3A_488 : memref<1x128x16xf32, #tpu.memory_space<vmem>> -> memref<128x16xf32, #tpu.memory_space<vmem>>
        %dma_start3A_490 = arith.constant 0 : i32
        %dma_start3A_491 = tpu.memref_slice %arg5[%add3A_463, %dma_start3A_490] : memref<400000x16xf32, #tpu.memory_space<hbm>> -> memref<128x16xf32, #tpu.memory_space<hbm>>
        %dma_start3A_492 = arith.constant 0 : i32
        %dma_start3A_493 = tpu.memref_slice %arg5[%add3A_463, %dma_start3A_492] : memref<400000x16xf32, #tpu.memory_space<hbm>> -> memref<128x16xf32, #tpu.memory_space<hbm>>
        %dma_start3A_494 = arith.constant 0 : i32
        %dma_start3A_495 = arith.constant 0 : i32
        %dma_start3A_496 = tpu.memref_slice %arg10[%run_scoped3A_464, %dma_start3A_494, %dma_start3A_495] : memref<7x128x16xf32, #tpu.memory_space<vmem>> -> memref<1x128x16xf32, #tpu.memory_space<vmem>>
        %dma_start3A_497 = tpu.memref_squeeze %dma_start3A_496 : memref<1x128x16xf32, #tpu.memory_space<vmem>> -> memref<128x16xf32, #tpu.memory_space<vmem>>
        tpu.enqueue_dma source(%dma_start3A_497 : memref<128x16xf32, #tpu.memory_space<vmem>>) target(%dma_start3A_493 : memref<128x16xf32, #tpu.memory_space<hbm>>) target_semaphore(%run_scoped3A_485 : memref<!tpu.dma_semaphore, #tpu.memory_space<semaphore_mem>>)
        %dma_wait3A_498 = arith.constant 0 : i32
        %dma_wait3A_499 = arith.constant 0 : i32
        %dma_wait3A_500 = tpu.memref_slice %arg10[%run_scoped3A_464, %dma_wait3A_498, %dma_wait3A_499] : memref<7x128x16xf32, #tpu.memory_space<vmem>> -> memref<1x128x16xf32, #tpu.memory_space<vmem>>
        %dma_wait3A_501 = tpu.memref_squeeze %dma_wait3A_500 : memref<1x128x16xf32, #tpu.memory_space<vmem>> -> memref<128x16xf32, #tpu.memory_space<vmem>>
        %dma_wait3A_502 = arith.constant 0 : i32
        %dma_wait3A_503 = tpu.memref_slice %arg5[%add3A_463, %dma_wait3A_502] : memref<400000x16xf32, #tpu.memory_space<hbm>> -> memref<128x16xf32, #tpu.memory_space<hbm>>
        %dma_wait3A_504 = arith.constant 0 : i32
        %dma_wait3A_505 = tpu.memref_slice %arg5[%add3A_463, %dma_wait3A_504] : memref<400000x16xf32, #tpu.memory_space<hbm>> -> memref<128x16xf32, #tpu.memory_space<hbm>>
        %dma_wait3A_506 = arith.constant 0 : i32
        %dma_wait3A_507 = arith.constant 0 : i32
        %dma_wait3A_508 = tpu.memref_slice %arg10[%run_scoped3A_464, %dma_wait3A_506, %dma_wait3A_507] : memref<7x128x16xf32, #tpu.memory_space<vmem>> -> memref<1x128x16xf32, #tpu.memory_space<vmem>>
        %dma_wait3A_509 = tpu.memref_squeeze %dma_wait3A_508 : memref<1x128x16xf32, #tpu.memory_space<vmem>> -> memref<128x16xf32, #tpu.memory_space<vmem>>
        tpu.wait_dma2 semaphore(%run_scoped3A_485 : memref<!tpu.dma_semaphore, #tpu.memory_space<semaphore_mem>>) src(%dma_wait3A_509 : memref<128x16xf32, #tpu.memory_space<vmem>>) dst(%dma_wait3A_505 : memref<128x16xf32, #tpu.memory_space<hbm>>)
        tpu.yield
      }) : () -> ()
      %mul3A_465 = arith.constant 7 : i32
      %mul3A_466 = arith.muli %add3A_350, %mul3A_465 : i32
      %add3A_467 = arith.constant 6 : i32
      %add3A_468 = arith.addi %mul3A_466, %add3A_467 : i32
      %dma_wait3A_469 = arith.constant 6 : i32
      %dma_wait3A_470 = arith.constant 0 : i32
      %dma_wait3A_471 = arith.constant 0 : i32
      %dma_wait3A_472 = tpu.memref_slice %arg10[%dma_wait3A_469, %dma_wait3A_470, %dma_wait3A_471] : memref<7x128x16xf32, #tpu.memory_space<vmem>> -> memref<1x128x16xf32, #tpu.memory_space<vmem>>
      %dma_wait3A_473 = tpu.memref_squeeze %dma_wait3A_472 : memref<1x128x16xf32, #tpu.memory_space<vmem>> -> memref<128x16xf32, #tpu.memory_space<vmem>>
      %dma_wait3A_474 = arith.constant 0 : i32
      %dma_wait3A_475 = tpu.memref_slice %arg8[%add3A_468, %dma_wait3A_474] : memref<98x128xi32, #tpu.memory_space<vmem>> -> memref<1x128xi32, #tpu.memory_space<vmem>>
      %dma_wait3A_476 = tpu.memref_squeeze %dma_wait3A_475 : memref<1x128xi32, #tpu.memory_space<vmem>> -> memref<128xi32, #tpu.memory_space<vmem>>
      %dma_wait3A_477 = arith.constant 0 : i32
      %dma_wait3A_478 = arith.constant 0 : i32
      %dma_wait3A_479 = tpu.memref_slice %arg2[%dma_wait3A_477, %dma_wait3A_478] : memref<1048576x16xf32, #tpu.memory_space<hbm>> -> memref<1048576x16xf32, #tpu.memory_space<hbm>>
      tpu.wait_indirect_dma semaphore(%arg12 : memref<!tpu.dma_semaphore, #tpu.memory_space<semaphore_mem>>) src(%dma_wait3A_479 : memref<1048576x16xf32, #tpu.memory_space<hbm>>) dst(%dma_wait3A_473 : memref<128x16xf32, #tpu.memory_space<vmem>>)
      %mul3A_480 = arith.constant 128 : i32
      %mul3A_481 = arith.muli %add3A_468, %mul3A_480 : i32
      %add3A_482 = arith.addi %min3A_3, %mul3A_481 : i32
      %run_scoped3A_483 = arith.constant 6 : i32
      "tpu.region"() ({
        %run_scoped3A_485 = tpu.sem_alloc : memref<!tpu.dma_semaphore, #tpu.memory_space<semaphore_mem>>
        %dma_start3A_486 = arith.constant 0 : i32
        %dma_start3A_487 = arith.constant 0 : i32
        %dma_start3A_488 = tpu.memref_slice %arg10[%run_scoped3A_483, %dma_start3A_486, %dma_start3A_487] : memref<7x128x16xf32, #tpu.memory_space<vmem>> -> memref<1x128x16xf32, #tpu.memory_space<vmem>>
        %dma_start3A_489 = tpu.memref_squeeze %dma_start3A_488 : memref<1x128x16xf32, #tpu.memory_space<vmem>> -> memref<128x16xf32, #tpu.memory_space<vmem>>
        %dma_start3A_490 = arith.constant 0 : i32
        %dma_start3A_491 = tpu.memref_slice %arg5[%add3A_482, %dma_start3A_490] : memref<400000x16xf32, #tpu.memory_space<hbm>> -> memref<128x16xf32, #tpu.memory_space<hbm>>
        %dma_start3A_492 = arith.constant 0 : i32
        %dma_start3A_493 = tpu.memref_slice %arg5[%add3A_482, %dma_start3A_492] : memref<400000x16xf32, #tpu.memory_space<hbm>> -> memref<128x16xf32, #tpu.memory_space<hbm>>
        %dma_start3A_494 = arith.constant 0 : i32
        %dma_start3A_495 = arith.constant 0 : i32
        %dma_start3A_496 = tpu.memref_slice %arg10[%run_scoped3A_483, %dma_start3A_494, %dma_start3A_495] : memref<7x128x16xf32, #tpu.memory_space<vmem>> -> memref<1x128x16xf32, #tpu.memory_space<vmem>>
        %dma_start3A_497 = tpu.memref_squeeze %dma_start3A_496 : memref<1x128x16xf32, #tpu.memory_space<vmem>> -> memref<128x16xf32, #tpu.memory_space<vmem>>
        tpu.enqueue_dma source(%dma_start3A_497 : memref<128x16xf32, #tpu.memory_space<vmem>>) target(%dma_start3A_493 : memref<128x16xf32, #tpu.memory_space<hbm>>) target_semaphore(%run_scoped3A_485 : memref<!tpu.dma_semaphore, #tpu.memory_space<semaphore_mem>>)
        %dma_wait3A_498 = arith.constant 0 : i32
        %dma_wait3A_499 = arith.constant 0 : i32
        %dma_wait3A_500 = tpu.memref_slice %arg10[%run_scoped3A_483, %dma_wait3A_498, %dma_wait3A_499] : memref<7x128x16xf32, #tpu.memory_space<vmem>> -> memref<1x128x16xf32, #tpu.memory_space<vmem>>
        %dma_wait3A_501 = tpu.memref_squeeze %dma_wait3A_500 : memref<1x128x16xf32, #tpu.memory_space<vmem>> -> memref<128x16xf32, #tpu.memory_space<vmem>>
        %dma_wait3A_502 = arith.constant 0 : i32
        %dma_wait3A_503 = tpu.memref_slice %arg5[%add3A_482, %dma_wait3A_502] : memref<400000x16xf32, #tpu.memory_space<hbm>> -> memref<128x16xf32, #tpu.memory_space<hbm>>
        %dma_wait3A_504 = arith.constant 0 : i32
        %dma_wait3A_505 = tpu.memref_slice %arg5[%add3A_482, %dma_wait3A_504] : memref<400000x16xf32, #tpu.memory_space<hbm>> -> memref<128x16xf32, #tpu.memory_space<hbm>>
        %dma_wait3A_506 = arith.constant 0 : i32
        %dma_wait3A_507 = arith.constant 0 : i32
        %dma_wait3A_508 = tpu.memref_slice %arg10[%run_scoped3A_483, %dma_wait3A_506, %dma_wait3A_507] : memref<7x128x16xf32, #tpu.memory_space<vmem>> -> memref<1x128x16xf32, #tpu.memory_space<vmem>>
        %dma_wait3A_509 = tpu.memref_squeeze %dma_wait3A_508 : memref<1x128x16xf32, #tpu.memory_space<vmem>> -> memref<128x16xf32, #tpu.memory_space<vmem>>
        tpu.wait_dma2 semaphore(%run_scoped3A_485 : memref<!tpu.dma_semaphore, #tpu.memory_space<semaphore_mem>>) src(%dma_wait3A_509 : memref<128x16xf32, #tpu.memory_space<vmem>>) dst(%dma_wait3A_505 : memref<128x16xf32, #tpu.memory_space<hbm>>)
        tpu.yield
      }) : () -> ()
      %scan3A_484 = arith.constant 0 : i32
      scf.yield %scan3A_484 : i32
    }
    %scan3A_102 = arith.constant 7 : i32
    return
  }
}

module attributes {stable_mosaic.version = 14 : i64} {
  func.func @_transform_body(%arg0: i32, %arg1: i32, %arg2: memref<1x64x16x512xf32, #tpu.memory_space<vmem>>, %arg3: memref<1x64x16x512xf32, #tpu.memory_space<vmem>>, %arg4: memref<128x32xf32, #tpu.memory_space<vmem>>, %arg5: memref<32xf32, #tpu.memory_space<vmem>>, %arg6: memref<32x16xf32, #tpu.memory_space<vmem>>, %arg7: memref<16xf32, #tpu.memory_space<vmem>>, %arg8: memref<1024x128xf32, #tpu.memory_space<vmem>>) attributes {dimension_semantics = [#tpu.dimension_semantics<arbitrary>, #tpu.dimension_semantics<arbitrary>], iteration_bounds = array<i64: 4, 32>, scalar_prefetch = 0 : i64, scratch_operands = 0 : i64, tpu.core_type = #tpu.core_type<tc>, window_params = [{transform_indices = @transform_0, window_bounds = array<i64: 1, 64, 16, 512>}, {transform_indices = @transform_1, window_bounds = array<i64: 1, 64, 16, 512>}, {pipeline_mode = #tpu.pipeline_mode<synchronous>, transform_indices = @transform_2, window_bounds = array<i64: 128, 32>}, {pipeline_mode = #tpu.pipeline_mode<synchronous>, transform_indices = @transform_3, window_bounds = array<i64: 32>}, {pipeline_mode = #tpu.pipeline_mode<synchronous>, transform_indices = @transform_4, window_bounds = array<i64: 32, 16>}, {pipeline_mode = #tpu.pipeline_mode<synchronous>, transform_indices = @transform_5, window_bounds = array<i64: 16>}, {transform_indices = @transform_6, window_bounds = array<i64: 1024, 128>}]} {
    %get3A = arith.constant 0 : index
    %get3A_0 = arith.constant 0 : index
    %get3A_1 = arith.constant 0 : index
    %get3A_2 = arith.constant 0 : index
    %get3A_3 = vector.load %arg2[%get3A, %get3A_0, %get3A_1, %get3A_2] : memref<1x64x16x512xf32, #tpu.memory_space<vmem>>, vector<1x64x16x512xf32>
    %get3A_4 = vector.shape_cast %get3A_3 : vector<1x64x16x512xf32> to vector<64x16x512xf32>
    %reshape3A = vector.shape_cast %get3A_4 : vector<64x16x512xf32> to vector<64x8192xf32>
    %get3A_5 = arith.constant 0 : index
    %get3A_6 = arith.constant 0 : index
    %get3A_7 = arith.constant 0 : index
    %get3A_8 = arith.constant 0 : index
    %get3A_9 = vector.load %arg3[%get3A_5, %get3A_6, %get3A_7, %get3A_8] : memref<1x64x16x512xf32, #tpu.memory_space<vmem>>, vector<1x64x16x512xf32>
    %get3A_10 = vector.shape_cast %get3A_9 : vector<1x64x16x512xf32> to vector<64x16x512xf32>
    %reshape3A_11 = vector.shape_cast %get3A_10 : vector<64x16x512xf32> to vector<64x8192xf32>
    %concatenate3A = tpu.concatenate %reshape3A, %reshape3A_11 in 0 : vector<64x8192xf32>, vector<64x8192xf32> -> vector<128x8192xf32>
    %get3A_12 = arith.constant 0 : index
    %get3A_13 = arith.constant 0 : index
    %get3A_14 = vector.load %arg6[%get3A_12, %get3A_13] : memref<32x16xf32, #tpu.memory_space<vmem>>, vector<32x16xf32>
    %get3A_15 = arith.constant 0 : index
    %get3A_16 = arith.constant 0 : index
    %get3A_17 = vector.load %arg4[%get3A_15, %get3A_16] : memref<128x32xf32, #tpu.memory_space<vmem>>, vector<128x32xf32>
    %dot_general3A = arith.constant dense<0.000000e+00> : vector<128x16xf32>
    %dot_general3A_18 = tpu.matmul %get3A_17, %get3A_14, %dot_general3A {dimension_numbers = #tpu.dot_dimension_numbers<[1], [0], [0], [1], [0, 0, 1, 1], [], []>, transpose_lhs_hint = false} : vector<128x32xf32>, vector<32x16xf32>, vector<128x16xf32> -> vector<128x16xf32>
    %get3A_19 = arith.constant 0 : index
    %get3A_20 = vector.load %arg5[%get3A_19] : memref<32xf32, #tpu.memory_space<vmem>>, vector<32xf32>
    %dot_general3A_21 = arith.constant dense<0.000000e+00> : vector<16xf32>
    %dot_general3A_22 = tpu.matmul %get3A_20, %get3A_14, %dot_general3A_21 {dimension_numbers = #tpu.dot_dimension_numbers<[0], [0], [], [1], [1, 1], [], []>, transpose_lhs_hint = false} : vector<32xf32>, vector<32x16xf32>, vector<16xf32> -> vector<16xf32>
    %get3A_23 = arith.constant 0 : index
    %get3A_24 = vector.load %arg7[%get3A_23] : memref<16xf32, #tpu.memory_space<vmem>>, vector<16xf32>
    %add3A = arith.addf %dot_general3A_22, %get3A_24 : vector<16xf32>
    %dot_general3A_25 = arith.constant dense<0.000000e+00> : vector<8192x16xf32>
    %dot_general3A_26 = tpu.matmul %concatenate3A, %dot_general3A_18, %dot_general3A_25 {dimension_numbers = #tpu.dot_dimension_numbers<[0], [0], [1], [1], [0, 1, 1, 1], [], []>, transpose_lhs_hint = false} : vector<128x8192xf32>, vector<128x16xf32>, vector<8192x16xf32> -> vector<8192x16xf32>
    %reshape3A_27 = vector.shape_cast %dot_general3A_26 : vector<8192x16xf32> to vector<1024x8x16xf32>
    %slice3A = vector.extract_strided_slice %reshape3A_27 {offsets = [0, 0, 0], sizes = [1024, 1, 16], strides = [1, 1, 1]} : vector<1024x8x16xf32> to vector<1024x1x16xf32>
    %squeeze3A = vector.shape_cast %slice3A : vector<1024x1x16xf32> to vector<1024x16xf32>
    %slice3A_28 = vector.extract_strided_slice %reshape3A_27 {offsets = [0, 1, 0], sizes = [1024, 1, 16], strides = [1, 1, 1]} : vector<1024x8x16xf32> to vector<1024x1x16xf32>
    %squeeze3A_29 = vector.shape_cast %slice3A_28 : vector<1024x1x16xf32> to vector<1024x16xf32>
    %slice3A_30 = vector.extract_strided_slice %reshape3A_27 {offsets = [0, 2, 0], sizes = [1024, 1, 16], strides = [1, 1, 1]} : vector<1024x8x16xf32> to vector<1024x1x16xf32>
    %squeeze3A_31 = vector.shape_cast %slice3A_30 : vector<1024x1x16xf32> to vector<1024x16xf32>
    %slice3A_32 = vector.extract_strided_slice %reshape3A_27 {offsets = [0, 3, 0], sizes = [1024, 1, 16], strides = [1, 1, 1]} : vector<1024x8x16xf32> to vector<1024x1x16xf32>
    %squeeze3A_33 = vector.shape_cast %slice3A_32 : vector<1024x1x16xf32> to vector<1024x16xf32>
    %slice3A_34 = vector.extract_strided_slice %reshape3A_27 {offsets = [0, 4, 0], sizes = [1024, 1, 16], strides = [1, 1, 1]} : vector<1024x8x16xf32> to vector<1024x1x16xf32>
    %squeeze3A_35 = vector.shape_cast %slice3A_34 : vector<1024x1x16xf32> to vector<1024x16xf32>
    %slice3A_36 = vector.extract_strided_slice %reshape3A_27 {offsets = [0, 5, 0], sizes = [1024, 1, 16], strides = [1, 1, 1]} : vector<1024x8x16xf32> to vector<1024x1x16xf32>
    %squeeze3A_37 = vector.shape_cast %slice3A_36 : vector<1024x1x16xf32> to vector<1024x16xf32>
    %slice3A_38 = vector.extract_strided_slice %reshape3A_27 {offsets = [0, 6, 0], sizes = [1024, 1, 16], strides = [1, 1, 1]} : vector<1024x8x16xf32> to vector<1024x1x16xf32>
    %squeeze3A_39 = vector.shape_cast %slice3A_38 : vector<1024x1x16xf32> to vector<1024x16xf32>
    %slice3A_40 = vector.extract_strided_slice %reshape3A_27 {offsets = [0, 7, 0], sizes = [1024, 1, 16], strides = [1, 1, 1]} : vector<1024x8x16xf32> to vector<1024x1x16xf32>
    %squeeze3A_41 = vector.shape_cast %slice3A_40 : vector<1024x1x16xf32> to vector<1024x16xf32>
    %concatenate3A_42 = tpu.concatenate %squeeze3A, %squeeze3A_29, %squeeze3A_31, %squeeze3A_33, %squeeze3A_35, %squeeze3A_37, %squeeze3A_39, %squeeze3A_41 in 1 : vector<1024x16xf32>, vector<1024x16xf32>, vector<1024x16xf32>, vector<1024x16xf32>, vector<1024x16xf32>, vector<1024x16xf32>, vector<1024x16xf32>, vector<1024x16xf32> -> vector<1024x128xf32>
    %concatenate3A_43 = tpu.concatenate %add3A, %add3A, %add3A, %add3A, %add3A, %add3A, %add3A, %add3A in 0 : vector<16xf32>, vector<16xf32>, vector<16xf32>, vector<16xf32>, vector<16xf32>, vector<16xf32>, vector<16xf32>, vector<16xf32> -> vector<128xf32>
    %broadcast_in_dim3A = vector.shape_cast %concatenate3A_43 : vector<128xf32> to vector<1x128xf32>
    %add3A_44 = vector.broadcast %broadcast_in_dim3A : vector<1x128xf32> to vector<1024x128xf32>
    %add3A_45 = arith.addf %concatenate3A_42, %add3A_44 : vector<1024x128xf32>
    %swap3A = arith.constant 0 : index
    %swap3A_46 = arith.constant 0 : index
    %swap3A_47 = vector.load %arg8[%swap3A, %swap3A_46] : memref<1024x128xf32, #tpu.memory_space<vmem>>, vector<1024x128xf32>
    tpu.vector_store %arg8[%swap3A, %swap3A_46], %add3A_45 {strides = array<i32>} : memref<1024x128xf32, #tpu.memory_space<vmem>>, vector<1024x128xf32>,
    return
  }
  func.func @transform_0(%arg0: i32, %arg1: i32) -> (i32, i32, i32, i32) {
    %c0_i32 = arith.constant 0 : i32
    %c0_i32_0 = arith.constant 0 : i32
    %c0_i32_1 = arith.constant 0 : i32
    return %arg0, %c0_i32, %arg1, %c0_i32_0 : i32, i32, i32, i32
  }
  func.func @transform_1(%arg0: i32, %arg1: i32) -> (i32, i32, i32, i32) {
    %c0_i32 = arith.constant 0 : i32
    %c0_i32_0 = arith.constant 0 : i32
    %c0_i32_1 = arith.constant 0 : i32
    return %arg0, %c0_i32, %arg1, %c0_i32_0 : i32, i32, i32, i32
  }
  func.func @transform_2(%arg0: i32, %arg1: i32) -> (i32, i32) {
    %c0_i32 = arith.constant 0 : i32
    %c0_i32_0 = arith.constant 0 : i32
    %c0_i32_1 = arith.constant 0 : i32
    return %c0_i32, %c0_i32_0 : i32, i32
  }
  func.func @transform_3(%arg0: i32, %arg1: i32) -> i32 {
    %c0_i32 = arith.constant 0 : i32
    %c0_i32_0 = arith.constant 0 : i32
    return %c0_i32 : i32
  }
  func.func @transform_4(%arg0: i32, %arg1: i32) -> (i32, i32) {
    %c0_i32 = arith.constant 0 : i32
    %c0_i32_0 = arith.constant 0 : i32
    %c0_i32_1 = arith.constant 0 : i32
    return %c0_i32, %c0_i32_0 : i32, i32
  }
  func.func @transform_5(%arg0: i32, %arg1: i32) -> i32 {
    %c0_i32 = arith.constant 0 : i32
    %c0_i32_0 = arith.constant 0 : i32
    return %c0_i32 : i32
  }
  func.func @transform_6(%arg0: i32, %arg1: i32) -> (i32, i32) {
    %mul3A = arith.constant 32 : i32
    %mul3A_0 = arith.muli %arg0, %mul3A : i32
    %add3A = arith.addi %mul3A_0, %arg1 : i32
    %c0_i32 = arith.constant 0 : i32
    %c0_i32_1 = arith.constant 0 : i32
    return %add3A, %c0_i32 : i32, i32
  }
}

</mosaic_0001>

<sc_bundles>
// kernel: kernel.4.cloned.1.call-start
scs
__scs_entry_jumppad:
0x0: {  	(pc) =	sbr.rel $0x88, $3  }
0x1: {  	(tag) =	ssettag $0x0;
	lr =	simm.s32 $0x1  }
0x2: {  	[smem:$0x3F9A] =	sst lr;
	_ =	strace $0xD0000000  }
0x3: {  	_ = 	snop  }
0x4: {  	_ = 	snop  }
0x5: {  	_ = 	snop  }
0x6: {  	_ = 	snop  }
0x7: {  	_ = 	snop  }
__scs_overlays_trampoline_lowered:
0x8: {  	[smem:$0x3FA9] =	sst s0  }
0x9: {  	[smem:$0x3FAA] =	sst s1  }
0xa: {  	[smem:$0x3FAB] =	sst s2  }
0xb: {  	[smem:$0x3FAC] =	sst s3  }
0xc: {  	[smem:$0x3FAD] =	sst s4  }
0xd: {  	[smem:$0x3FAE] =	sst s5  }
0xe: {  	[smem:$0x3FAF] =	sst s6  }
0xf: {  	[smem:$0x3FB0] =	sst s7  }
0x10: {  	[smem:$0x3FB1] =	sst s8  }
0x11: {  	[smem:$0x3FB2] =	sst s9;
	s0 =	simm.s32 @!p0 $0x0  }
0x12: {  	s1 =	sld [smem:$0x3F98];
	s0 =	simm.s32 @p0 $0x1  }
0x13: {  	[smem:$0x3FB3] =	sst s0;
	s0 =	simm.s32 @!p1 $0x0  }
0x14: {  	s2 =	sld [smem:$0x3F97];
	s0 =	simm.s32 @p1 $0x1  }
0x15: {  	[smem:$0x3FB4] =	sst s0;
	s0 =	simm.s32 @!p2 $0x0  }
0x16: {  	s3 =	sld [smem:$0x3FDB];
	s0 =	simm.s32 @p2 $0x1  }
0x17: {  	s4 =	simm.s32 $0x1BF5;
	[smem:$0x3FB6] =	sst s0  }
0x18: {  	s0 =	sld [smem:$0x3F99];
	_ =	swait.ge [sflag:s4], $0x0  }
0x19: {  	s7 =	sld [smem:$0x3F9A]  }
0x1a: {  	s8 =	sadd.s32 $0xFFFFE003, lr  }
0x1b: {  	s9 =	sadd.s32 $0xFFFFFEF7, lr;
	s5 =	simm.s32 $0xFFFFFFFF;
	p2 =	slt.u32 s8, $0xFFFFF086  }
0x1c: {  	p1 =	slt.u32 s9, $0xF7A;
	s5 =	simm.s32 @!p2 $0x0  }
0x1d: {  	s5 =	simm.s32 @p1 $0x1;
	p0 =	seq.s32 s7, s2  }
0x1e: {  	s7 =	smul.u32 @!p0 $0xF7A, s2;
	p2 =	seq.s32 @!p0 s5, $0x0  }
0x1f: {  	s9 =	smul.u32 $0xF7A, s1;
	s8 =	simm.s32 @!p0 $0x1BF5;
	p2 =	por !p2, p0  }
0x20: {  	[sflag:s8] =	ssyncset.s32 @!p0 $0xFFFFF086;
	s6 =	sadd.s32 @!p0 s3, s7;
	s7 =	simm.s32 @!p0 $0x108  }
0x21: {  	s3 =	sadd.s32 s3, s9;
	s6 =	sadd.s32 @!p0 $0x88, s6;
	s7 =	simm.s32 @p2 $0x1082  }
0x22: {  	[simem:s7], [sflag:s8] =	dma.local @!p0 [hbm:s6], $0xF7A  }
0x23: {  	s9 =	sor.u32 $0xD0000000, s2;
	s6 =	simm.s32 $0x108;
	_ =	swait.ge @!p0 [sflag:s8], $0x0  }
0x24: {  	s3 =	sadd.s32 $0x88, s3;
	s6 =	simm.s32 @!p1 $0x1082;
	[sflag:s4] =	ssyncset.s32 $0xFFFFF086  }
0x25: {  	[simem:s6], [sflag:s4] =	dma.local [hbm:s3], $0xF7A  }
0x26: {  	[smem:$0x3F9A] =	sst s1;
	(tag) =	ssettag s2;
	_ =	strace s9  }
0x27: {  	s1 =	sld [smem:$0x3FAA]  }
0x28: {  	s2 =	sld [smem:$0x3FAB]  }
0x29: {  	s4 =	sld [smem:$0x3FAD]  }
0x2a: {  	p0 =	seq.s32 s5, $0x0;
	s5 =	sld [smem:$0x3FAE]  }
0x2b: {  	s6 =	sld [smem:$0x3FAF]  }
0x2c: {  	s7 =	sld [smem:$0x3FB0]  }
0x2d: {  	s3 =	simm.s32 $0x108;
	s8 =	sld [smem:$0x3FB1]  }
0x2e: {  	s3 =	simm.s32 @!p0 $0x1082;
	s9 =	sld [smem:$0x3FB2]  }
0x2f: {  	lr =	sadd.s32 s0, s3;
	s0 =	sld [smem:$0x3FA9]  }
0x30: {  	s3 =	sld [smem:$0x3FAC]  }
0x31: {  	[smem:$0x3FB5] =	sst s10  }
0x32: {  	s10 =	sld [smem:$0x3FB3];
	_ =	sdelay $0x3  }
0x33: {  	p0 =	seq.s32 s10, $0x1;
	s10 =	sld [smem:$0x3FB5];
	_ =	sdelay $0x3  }
0x34: {  	[smem:$0x3FB5] =	sst s10  }
0x35: {  	s10 =	sld [smem:$0x3FB4];
	_ =	sdelay $0x3  }
0x36: {  	p1 =	seq.s32 s10, $0x1;
	s10 =	sld [smem:$0x3FB5];
	_ =	sdelay $0x3  }
0x37: {  	[smem:$0x3FB5] =	sst s10  }
0x38: {  	s10 =	sld [smem:$0x3FB6]  }
0x39: {  	_ = 	snop;
	(pc) =	sbr.ind lr, $3  }
0x3a: {  	_ = 	snop  }
0x3b: {  	_ = 	snop  }
0x3c: {  	p2 =	seq.s32 s10, $0x1;
	s10 =	sld [smem:$0x3FB5]  }
0x3d: {  	_ =	shalt  }
0x3e: {  	_ =	shalt  }
0x3f: {  	_ =	shalt  }
0x40: {  	_ =	shalt  }
0x41: {  	_ =	shalt  }
0x42: {  	_ =	shalt  }
0x43: {  	_ =	shalt  }
0x44: {  	_ =	shalt  }
0x45: {  	_ =	shalt  }
0x46: {  	_ =	shalt  }
0x47: {  	_ =	shalt  }
0x48: {  	_ =	shalt  }
0x49: {  	_ =	shalt  }
0x4a: {  	_ =	shalt  }
0x4b: {  	_ =	shalt  }
0x4c: {  	_ =	shalt  }
0x4d: {  	_ =	shalt  }
0x4e: {  	_ =	shalt  }
0x4f: {  	_ =	shalt  }
0x50: {  	_ =	shalt  }
0x51: {  	_ =	shalt  }
0x52: {  	_ =	shalt  }
0x53: {  	_ =	shalt  }
0x54: {  	_ =	shalt  }
0x55: {  	_ =	shalt  }
0x56: {  	_ =	shalt  }
0x57: {  	_ =	shalt  }
0x58: {  	_ =	shalt  }
0x59: {  	_ =	shalt  }
0x5a: {  	_ =	shalt  }
0x5b: {  	_ =	shalt  }
0x5c: {  	_ =	shalt  }
0x5d: {  	_ =	shalt  }
0x5e: {  	_ =	shalt  }
0x5f: {  	_ =	shalt  }
0x60: {  	_ =	shalt  }
0x61: {  	_ =	shalt  }
0x62: {  	_ =	shalt  }
0x63: {  	_ =	shalt  }
0x64: {  	_ =	shalt  }
0x65: {  	_ =	shalt  }
0x66: {  	_ =	shalt  }
0x67: {  	_ =	shalt  }
0x68: {  	_ =	shalt  }
0x69: {  	_ =	shalt  }
0x6a: {  	_ =	shalt  }
0x6b: {  	_ =	shalt  }
0x6c: {  	_ =	shalt  }
0x6d: {  	_ =	shalt  }
0x6e: {  	_ =	shalt  }
0x6f: {  	_ =	shalt  }
0x70: {  	_ =	shalt  }
0x71: {  	_ =	shalt  }
0x72: {  	_ =	shalt  }
0x73: {  	_ =	shalt  }
0x74: {  	_ =	shalt  }
0x75: {  	_ =	shalt  }
0x76: {  	_ =	shalt  }
0x77: {  	_ =	shalt  }
0x78: {  	_ =	shalt  }
0x79: {  	_ =	shalt  }
0x7a: {  	_ =	shalt  }
0x7b: {  	_ =	shalt  }
0x7c: {  	_ =	shalt  }
0x7d: {  	_ =	shalt  }
0x7e: {  	_ =	shalt  }
0x7f: {  	_ =	shalt  }
0x80: {  	_ =	shalt  }
0x81: {  	_ =	shalt  }
0x82: {  	_ =	shalt  }
0x83: {  	_ =	shalt  }
0x84: {  	_ =	shalt  }
0x85: {  	_ =	shalt  }
0x86: {  	_ =	shalt  }
0x87: {  	_ =	shalt  }
.Lfunc_end0:
.L_simem_size_0:
called_computation_lowered:
.L_overlay_start_0:
0x88: {  	s2 =	sld [smem:$0x3FD9]  }
0x89: {  	s3 =	sld [smem:$0x3FFE];
	_ =	sdelay $0x1  }
0x8a: {  	s1 =	srdreg.scid  }
0x8b: {  	s0 =	sand.u32 $0x1, s1  }
0x8c: {  	s17 =	sshll.u32 s0, $0xA;
	s2 =	sadd.s32 s3, s2  }
0x8d: {  	s2 =	sadd.s32 s2, s17  }
0x8e: {  	[smem:$0x3FC1] =	sst s2  }
0x8f: {  	_ = 	snop  }
0x90: {  	s2 =	sld [smem:$0x3FD0];
	(tm) =	ssettm $0x1  }
0x91: {  	s18 =	sld [smem:$0x3FFB];
	_ =	sdelay $0x3  }
0x92: {  	_ =	strace s18  }
0x93: {  	s3 =	sld [smem:$0x3FFC];
	_ =	sdelay $0x3  }
0x94: {  	_ =	strace s3  }
0x95: {  	s3 =	sld [smem:$0x3FFD];
	_ =	sdelay $0x3  }
0x96: {  	_ =	strace s3  }
0x97: {  	_ =	strace $0x8FFFFFFF  }
0x98: {  	s19 =	sld [smem:$0x3FDB];
	_ =	sdelay $0x1  }
0x99: {  	s4 =	simm.s32 $_scs_section_size  }
0x9a: {  	s5 =	simm.s32 $_size__tile_overlayer_lowered;
	s6 =	simm.s32 $_tile_overlayer_lowered  }
0x9b: {  	s22 =	simm.s32 $0x1BFF;
	s21 =	sshll.u32 s6, $0x1;
	s3 =	sadd.s32 s4, s19  }
0x9c: {  	s7 =	simm.s32 $0x0;
	s20 =	sshll.u32 s5, $0x1;
	s5 =	sadd.s32 s21, s3  }
0x9d: {  	[timem:s7], [sflag:s22] =	dma.local [hbm:s5], s20  }
0x9e: {  	_ =	swait.ge [sflag:s22], s20  }
0x9f: {  	s4 =	ssub.s32 $0x0, s20;
	[sflag:s22] =	ssyncset.done $0x0  }
0xa0: {  	[sflag:s22] =	ssyncadd.s32 s4;
	_ =	sdelay $0x1  }
0xa1: {  	s23 =	simm.s32 $0x1B8B  }
0xa2: {  	_ =	swait.ge [sflag:s23], $0x1  }
0xa3: {  	[sflag:s23] =	ssyncset.done $0x0  }
0xa4: {  	s25 =	simm.s32 $0x1B8E;
	s24 =	sld [smem:$0x3FFE];
	[sflag:s23] =	ssyncadd.s32 $0xFFFFFFFF  }
0xa5: {  	s26 =	simm.s32 $execute0_lowered;
	[smem:$0x3FD2] =	sst s25  }
0xa6: {  	s5 =	sshll.u32 s26, $0x1;
	_ =	strace $0x80000046;
	[dreg:$0x1] =	wrdreg $0xFFFFFFFF  }
0xa7: {  	s28 =	simm.s32 $_size_execute0_lowered;
	s3 =	sadd.s32 s3, s5;
	[dreg:$0x0] =	wrdreg $0x0  }
0xa8: {  	s5 =	sshll.u32 s28, $0x1;
	[dreg:$0x2] =	wrdreg s3  }
0xa9: {  	[dreg:$0x3] =	wrdreg s5  }
0xaa: {  	[dreg:$0x4] =	wrdreg $0xC0  }
0xab: {  	_ =	task [dreg:s7], $0x5FFFF  }
0xac: {  	[dreg:$0x1] =	wrdreg $0xFFFFFFFF  }
0xad: {  	[dreg:$0x0] =	wrdreg $0x60  }
0xae: {  	[dreg:$0x2] =	wrdreg s24  }
0xaf: {  	[dreg:$0x3] =	wrdreg s2  }
0xb0: {  	[dreg:$0x4] =	wrdreg $0x9  }
0xb1: {  	_ =	task.clear_ibuf [dreg:s7], $0x5FFFF;
	_ =	strace $0x90000046  }
0xb2: {  	s29 =	simm.s32 $0x9;
	_ =	strace $0x80000048  }
0xb3: {  	_ =	swait.ge [sflag:s29], $0x1  }
0xb4: {  	[sflag:s29] =	ssyncadd.s32 $0xFFFFFFFF  }
0xb5: {  	_ =	strace $0x90000048  }
0xb6: {  	_ =	sfence  }
0xb7: {  	s30 =	sld [smem:$0x0];
	_ =	sdelay $0x2  }
0xb8: {  	s31 =	sshll.u32 s1, $0xD;
	s1 =	sshrl.u32 s1, $0x2  }
0xb9: {  	s3 =	sand.u32 $0x4000, s31;
	s1 =	sadd.s32 s1, s30  }
0xba: {  	s0 =	sor.u32 s3, s0;
	s1 =	sshll.u32 s1, $0x11  }
0xbb: {  	s0 =	sor.u32 s1, s0  }
0xbc: {  	s0 =	sadd.s32 $0x8F2B, s0  }
0xbd: {  	[sflag:s0] =	ssyncadd.remote.s32 $0x1  }
0xbe: {  	_ =	sfence.sel $0xFFFF  }
0xbf: {  	[dreg:$0x0] =	wrdreg $0xFFFFFFFF;
	(pc) =	sbr.abs _section_cstart, $3  }
0xc0: {  	[dreg:$0x1] =	wrdreg $0xFFFFFFFF  }
0xc1: {  	_ =	task.clear_ibuf [dreg:s7], $0x2FFFF;
	_ =	strace $0x9FFFFFFF  }
0xc2: {  	(tm) =	ssettm $0x7FFFFFFF  }
0xc3: {  	_ =	shalt  }
tec
execute0_lowered:
.L_overlay_start_1:
0x0: {  	(tag) =	ssettag $0x1  }
0x1: {  	s0 =	rddreg [dreg:$0x0]  }
0x2: {  	s1 =	rddreg [dreg:$0x1];
	s2 =	srdreg.scid  }
0x3: {  	s5 =	stileid.u32;
	s9 =	simm.s32 $0x3;
	s10 =	simm.s32 $0x80  }
0x4: {  	s12 =	simm.s32 $0x9300;
	s14 =	simm.s32 $0x9B00;
	s16 =	simm.s32 $0xA300  }
0x5: {  	s18 =	simm.s32 $0xAB00;
	s28 =	simm.s32 $0xDB00;
	s29 =	simm.s32 $0xE300  }
0x6: {  	s30 =	simm.s32 $0xEB00;
	s31 =	simm.s32 $0xF300;
	s11 =	simm.s32 $0x2  }
0x7: {  	s4 =	sand.u32 $0x1, s2;
	s3 =	sshll.u32 s5, $0x1;
	s5 =	smul.u32 $0x6200, s5  }
0x8: {  	s2 =	simm.s32 $0x0;
	s3 =	sor.u32 s4, s3;
	s6 =	smul.u32 $0x3100, s4  }
0x9: {  	[smem:$0x7FF] =	sst s2;
	s4 =	ssub.s32 $0x2, s4;
	s7 =	smul.u32 $0x3100, s3  }
0xa: {  	_ =	strace $0x80000047;
	s3 =	sadd.s32 $0xC800, s0;
	s24 =	sshrl.u32 s4, $0x1  }
0xb: {  	s5 =	sadd.s32 s6, s5;
	s4 =	ssub.s32 s4, s24;
	s24 =	simm.s32 $0xC300  }
0xc: {  	s20 =	smin.u32 s7, $0x5E980;
	s21 =	smin.u32 s5, $0x5E980;
	s26 =	smax.u32 s4, $0x1  }
0xd: {  	s5 =	simm.s32 $0x0;
	s22 =	sshrl.u32 s20, $0x3;
	[dreg:$0x3] =	wrdreg s21  }
0xe: {  	s23 =	sshll.u32 s21, $0x1;
	[dreg:$0x6] =	wrdreg s26;
	s20 =	simm.s32 $0xB300  }
0xf: {  	s26 =	simm.s32 $0xD300;
	s8 =	sadd.s32 s22, s0;
	s1 =	sadd.s32 s1, s22  }
0x10: {  	s0 =	sadd.s32 s23, s0;
	s22 =	simm.s32 $0xBB00;
	[dreg:$0x4] =	wrdreg s1  }
0x11: {  	s25 =	sadd.s32 $0x400, s8;
	s8 =	sadd.s32 $0x20C800, s0;
	s0 =	simm.s32 $0xFB00  }
0x12: {  	s1 =	simm.s32 $0x1;
	[dreg:$0x5] =	wrdreg s25;
	s25 =	simm.s32 $0xCB00  }
.LBB2_1:
0x13: {  	[dreg:$0x7] =	wrdreg s5  }
0x14: {  	s4 =	rddreg [dreg:$0x4]  }
0x15: {  	[tilespmem:s2], [sflag:$0x3] =	stream.linear.gather [hbm4b:s4+s2], $0x3100, $0x38;
	[tilespmem:$0x10300] =	vst v63  }
0x16: {  	_ =	swait.ge [sflag:s9], $0x3100  }
0x17: {  	[sflag:s9] =	ssyncset.done $0x0  }
0x18: {  	s15 =	simm.s32 $0x3100;
	s23 =	rddreg [dreg:$0x5];
	[sflag:s9] =	ssyncadd.s32 $0xFFFFCF00  }
0x19: {  	[tilespmem:s15], [sflag:$0x3] =	stream.linear.gather [hbm4b:s23+s2], $0x3100, $0x38;
	[tilespmem:$0x10300] =	vst v63  }
0x1a: {  	_ =	swait.ge [sflag:s9], $0x3100  }
0x1b: {  	s17 =	simm.s32 $0x6200;
	s19 =	simm.s32 $0x0;
	[sflag:s9] =	ssyncset.done $0x0  }
0x1c: {  	s23 =	simm.s32 $0x0;
	s4 =	rddreg [dreg:$0x3];
	[sflag:s9] =	ssyncadd.s32 $0xFFFFCF00  }
.LBB2_2:
0x1d: {  	v1 =	vmov s19  }
0x1e: {  	v2 =	vmov s15;
	_ =	sdelay $0x1  }
0x1f: {  	s5 =	simm.s32 $0x0  }
0x20: {  	v0 =	vmov s17;
	s7 =	sshrl.u32 s4, $0x5;
	s6 =	simm.s32 $0x40;
	s21 =	smov.u32 s4  }
.LBB2_3:
0x21: {  	p0 =	sne.s32 s6, $0x1C0;
	v3 =	vld.idx.msk [tilespmem:v1+s5+$0x0 ss:$0x1], $0xffff;
	s7 =	smulhi.u32 $0xA7C5AC5, s7  }
0x22: {  	v4 =	vld.idx.msk [tilespmem:v2+s5+$0x0 ss:$0x1], $0xffff  }
0x23: {  	s7 =	sshrl.u32 s7, $0x7  }
0x24: {  	v5 =	vmov s7  }
0x25: {  	v5 =	vmin.u32 v5, $0x3  }
.Ltmp0:
0x26: {  	v5 =	vshll.u32 v5, $0x12;
	(pc) =	sbr.rel @p0 .LBB2_3-.Ltmp0, $4  }
0x27: {  	v3 =	vshll.u32 v3, $0x9;
	v5 =	vbroadcast v5, $0x0  }
0x28: {  	v3 =	vadd.s32 v3, v4  }
0x29: {  	s21 =	sadd.s32 $0x10, s21;
	v3 =	vadd.s32 v5, v3  }
0x2a: {  	s7 =	sshrl.u32 s21, $0x5;
	[tilespmem:v0+s5+$0x0 ss:$0x1] =	vst.idx.msk $0xffff, v3;
	s5 =	sshra.s32 s6, $0x2;
	s6 =	sadd.s32 $0x40, s6  }
0x2b: {  	_ =	sdelay $0x2  }
0x2c: {  	s6 =	smulhi.u32 $0xA7C5AC5, s7  }
0x2d: {  	v1 =	vld.idx.msk [tilespmem:v1+s5+$0x0 ss:$0x1], $0xffff  }
0x2e: {  	v2 =	vld.idx.msk [tilespmem:v2+s5+$0x0 ss:$0x1], $0xffff;
	s6 =	sshrl.u32 s6, $0x7  }
0x2f: {  	s23 =	sadd.s32 $0x1, s23;
	v3 =	vmov s6  }
0x30: {  	p0 =	sne.s32 s23, $0x62;
	v3 =	vmin.u32 v3, $0x3  }
.Ltmp1:
0x31: {  	v3 =	vshll.u32 v3, $0x12;
	(pc) =	sbr.rel @p0 .LBB2_2-.Ltmp1, $4  }
0x32: {  	v1 =	vshll.u32 v1, $0x9;
	v3 =	vbroadcast v3, $0x0  }
0x33: {  	v1 =	vadd.s32 v1, v2  }
0x34: {  	s4 =	sadd.s32 $0x80, s4;
	v1 =	vadd.s32 v3, v1  }
0x35: {  	s15 =	sadd.s32 $0x80, s15;
	s19 =	sadd.s32 $0x80, s19;
	s17 =	sadd.s32 $0x80, s17;
	[tilespmem:v0+s5+$0x0 ss:$0x1] =	vst.idx.msk $0xffff, v1  }
0x36: {  	s4 =	simm.s32 $0x6200  }
0x37: {  	[tilespmem:s12], [sflag:$0x1] =	stream.indirect.gather [hbm4b:s3+s10], $0x10, s4, s10, $0xb8;
	[tilespmem:$0x10300] =	vst v63  }
0x38: {  	s6 =	simm.s32 $0x6280  }
0x39: {  	[tilespmem:s14], [sflag:$0x1] =	stream.indirect.gather [hbm4b:s3+s10], $0x10, s6, s10, $0xb8;
	[tilespmem:$0x10300] =	vst v63  }
0x3a: {  	s7 =	simm.s32 $0x6300  }
0x3b: {  	[tilespmem:s16], [sflag:$0x1] =	stream.indirect.gather [hbm4b:s3+s10], $0x10, s7, s10, $0xb8;
	[tilespmem:$0x10300] =	vst v63  }
0x3c: {  	s13 =	simm.s32 $0x6380  }
0x3d: {  	[tilespmem:s18], [sflag:$0x1] =	stream.indirect.gather [hbm4b:s3+s10], $0x10, s13, s10, $0xb8;
	[tilespmem:$0x10300] =	vst v63  }
0x3e: {  	s15 =	simm.s32 $0x6400  }
0x3f: {  	[tilespmem:s20], [sflag:$0x1] =	stream.indirect.gather [hbm4b:s3+s10], $0x10, s15, s10, $0xb8;
	[tilespmem:$0x10300] =	vst v63  }
0x40: {  	s17 =	simm.s32 $0x6480  }
0x41: {  	[tilespmem:s22], [sflag:$0x1] =	stream.indirect.gather [hbm4b:s3+s10], $0x10, s17, s10, $0xb8;
	[tilespmem:$0x10300] =	vst v63  }
0x42: {  	s19 =	simm.s32 $0x6500  }
0x43: {  	[tilespmem:s24], [sflag:$0x1] =	stream.indirect.gather [hbm4b:s3+s10], $0x10, s19, s10, $0xb8;
	[tilespmem:$0x10300] =	vst v63  }
0x44: {  	s21 =	simm.s32 $0x6580  }
0x45: {  	[tilespmem:s25], [sflag:$0x2] =	stream.indirect.gather [hbm4b:s3+s10], $0x10, s21, s10, $0xb8;
	[tilespmem:$0x10300] =	vst v63  }
0x46: {  	s23 =	simm.s32 $0x6600  }
0x47: {  	[tilespmem:s26], [sflag:$0x2] =	stream.indirect.gather [hbm4b:s3+s10], $0x10, s23, s10, $0xb8;
	[tilespmem:$0x10300] =	vst v63  }
0x48: {  	s5 =	simm.s32 $0x6680  }
0x49: {  	[tilespmem:s28], [sflag:$0x2] =	stream.indirect.gather [hbm4b:s3+s10], $0x10, s5, s10, $0xb8;
	[tilespmem:$0x10300] =	vst v63  }
0x4a: {  	s6 =	simm.s32 $0x6700  }
0x4b: {  	[tilespmem:s29], [sflag:$0x2] =	stream.indirect.gather [hbm4b:s3+s10], $0x10, s6, s10, $0xb8;
	[tilespmem:$0x10300] =	vst v63  }
0x4c: {  	s7 =	simm.s32 $0x6780  }
0x4d: {  	[tilespmem:s30], [sflag:$0x2] =	stream.indirect.gather [hbm4b:s3+s10], $0x10, s7, s10, $0xb8;
	[tilespmem:$0x10300] =	vst v63  }
0x4e: {  	s13 =	simm.s32 $0x6800  }
0x4f: {  	[tilespmem:s31], [sflag:$0x2] =	stream.indirect.gather [hbm4b:s3+s10], $0x10, s13, s10, $0xb8;
	[tilespmem:$0x10300] =	vst v63  }
0x50: {  	s15 =	simm.s32 $0x6880  }
0x51: {  	[tilespmem:s0], [sflag:$0x2] =	stream.indirect.gather [hbm4b:s3+s10], $0x10, s15, s10, $0xb8;
	[tilespmem:$0x10300] =	vst v63  }
0x52: {  	_ =	swait.ge [sflag:s1], $0x800  }
0x53: {  	[sflag:s1] =	ssyncset.done $0x0  }
0x54: {  	[sflag:s1] =	ssyncadd.s32 $0xFFFFF800  }
0x55: {  	[hbm4b:s8+s2] =	stream.linear.scatter [tilespmem:s12], [sflag:$0x3], $0x800, $0x38;
	[tilespmem:$0x10300] =	vst v63  }
0x56: {  	_ =	swait.ge [sflag:s9], $0x800  }
0x57: {  	[sflag:s9] =	ssyncset.done $0x0  }
0x58: {  	[sflag:s9] =	ssyncadd.s32 $0xFFFFF800  }
0x59: {  	_ =	swait.ge [sflag:s1], $0x800  }
0x5a: {  	[sflag:s1] =	ssyncset.done $0x0  }
0x5b: {  	s17 =	sadd.s32 $0x100, s8;
	[sflag:s1] =	ssyncadd.s32 $0xFFFFF800  }
0x5c: {  	[hbm4b:s17+s2] =	stream.linear.scatter [tilespmem:s14], [sflag:$0x3], $0x800, $0x38;
	[tilespmem:$0x10300] =	vst v63  }
0x5d: {  	_ =	swait.ge [sflag:s9], $0x800  }
0x5e: {  	[sflag:s9] =	ssyncset.done $0x0  }
0x5f: {  	[sflag:s9] =	ssyncadd.s32 $0xFFFFF800  }
0x60: {  	_ =	swait.ge [sflag:s1], $0x800  }
0x61: {  	[sflag:s1] =	ssyncset.done $0x0  }
0x62: {  	s19 =	sadd.s32 $0x200, s8;
	[sflag:s1] =	ssyncadd.s32 $0xFFFFF800  }
0x63: {  	[hbm4b:s19+s2] =	stream.linear.scatter [tilespmem:s16], [sflag:$0x3], $0x800, $0x38;
	[tilespmem:$0x10300] =	vst v63  }
0x64: {  	_ =	swait.ge [sflag:s9], $0x800  }
0x65: {  	[sflag:s9] =	ssyncset.done $0x0  }
0x66: {  	[sflag:s9] =	ssyncadd.s32 $0xFFFFF800  }
0x67: {  	_ =	swait.ge [sflag:s1], $0x800  }
0x68: {  	[sflag:s1] =	ssyncset.done $0x0  }
0x69: {  	s21 =	sadd.s32 $0x300, s8;
	[sflag:s1] =	ssyncadd.s32 $0xFFFFF800  }
0x6a: {  	[hbm4b:s21+s2] =	stream.linear.scatter [tilespmem:s18], [sflag:$0x3], $0x800, $0x38;
	[tilespmem:$0x10300] =	vst v63  }
0x6b: {  	_ =	swait.ge [sflag:s9], $0x800  }
0x6c: {  	[sflag:s9] =	ssyncset.done $0x0  }
0x6d: {  	[sflag:s9] =	ssyncadd.s32 $0xFFFFF800  }
0x6e: {  	_ =	swait.ge [sflag:s1], $0x800  }
0x6f: {  	[sflag:s1] =	ssyncset.done $0x0  }
0x70: {  	s23 =	sadd.s32 $0x400, s8;
	[sflag:s1] =	ssyncadd.s32 $0xFFFFF800  }
0x71: {  	[hbm4b:s23+s2] =	stream.linear.scatter [tilespmem:s20], [sflag:$0x3], $0x800, $0x38;
	[tilespmem:$0x10300] =	vst v63  }
0x72: {  	_ =	swait.ge [sflag:s9], $0x800  }
0x73: {  	[sflag:s9] =	ssyncset.done $0x0  }
0x74: {  	[sflag:s9] =	ssyncadd.s32 $0xFFFFF800  }
0x75: {  	_ =	swait.ge [sflag:s1], $0x800  }
0x76: {  	[sflag:s1] =	ssyncset.done $0x0  }
0x77: {  	s5 =	sadd.s32 $0x500, s8;
	[sflag:s1] =	ssyncadd.s32 $0xFFFFF800  }
0x78: {  	[hbm4b:s5+s2] =	stream.linear.scatter [tilespmem:s22], [sflag:$0x3], $0x800, $0x38;
	[tilespmem:$0x10300] =	vst v63  }
0x79: {  	_ =	swait.ge [sflag:s9], $0x800  }
0x7a: {  	[sflag:s9] =	ssyncset.done $0x0  }
0x7b: {  	[sflag:s9] =	ssyncadd.s32 $0xFFFFF800  }
0x7c: {  	_ =	swait.ge [sflag:s1], $0x800  }
0x7d: {  	[sflag:s1] =	ssyncset.done $0x0  }
0x7e: {  	s6 =	sadd.s32 $0x600, s8;
	[sflag:s1] =	ssyncadd.s32 $0xFFFFF800  }
0x7f: {  	[hbm4b:s6+s2] =	stream.linear.scatter [tilespmem:s24], [sflag:$0x3], $0x800, $0x38;
	[tilespmem:$0x10300] =	vst v63  }
0x80: {  	p0 =	por $0x0, $0x0;
	_ =	swait.ge [sflag:s9], $0x800  }
0x81: {  	s4 =	simm.s32 @!p0 $0x9300;
	[sflag:s9] =	ssyncset.done $0x0  }
0x82: {  	s5 =	simm.s32 @!p0 $0x6900;
	s6 =	simm.s32 @!p0 $0x80;
	[sflag:s9] =	ssyncadd.s32 $0xFFFFF800  }
0x83: {  	[tilespmem:s4], [sflag:$0x1] =	stream.indirect.gather @!p0 [hbm4b:s3+s6], $0x10, s5, s6, $0xb8;
	[tilespmem:$0x10300] =	vst v63  }
0x84: {  	s4 =	simm.s32 @!p0 $0x6980;
	s5 =	simm.s32 @!p0 $0x9B00  }
0x85: {  	[tilespmem:s5], [sflag:$0x1] =	stream.indirect.gather @!p0 [hbm4b:s3+s6], $0x10, s4, s6, $0xb8;
	[tilespmem:$0x10300] =	vst v63  }
0x86: {  	s4 =	simm.s32 @!p0 $0x6A00;
	s5 =	simm.s32 @!p0 $0xA300  }
0x87: {  	[tilespmem:s5], [sflag:$0x1] =	stream.indirect.gather @!p0 [hbm4b:s3+s6], $0x10, s4, s6, $0xb8;
	[tilespmem:$0x10300] =	vst v63  }
0x88: {  	s4 =	simm.s32 @!p0 $0x6A80;
	s5 =	simm.s32 @!p0 $0xAB00  }
0x89: {  	[tilespmem:s5], [sflag:$0x1] =	stream.indirect.gather @!p0 [hbm4b:s3+s6], $0x10, s4, s6, $0xb8;
	[tilespmem:$0x10300] =	vst v63  }
0x8a: {  	s4 =	simm.s32 @!p0 $0x6B00;
	s5 =	simm.s32 @!p0 $0xB300  }
0x8b: {  	[tilespmem:s5], [sflag:$0x1] =	stream.indirect.gather @!p0 [hbm4b:s3+s6], $0x10, s4, s6, $0xb8;
	[tilespmem:$0x10300] =	vst v63  }
0x8c: {  	s4 =	simm.s32 @!p0 $0x6B80;
	s5 =	simm.s32 @!p0 $0xBB00  }
0x8d: {  	[tilespmem:s5], [sflag:$0x1] =	stream.indirect.gather @!p0 [hbm4b:s3+s6], $0x10, s4, s6, $0xb8;
	[tilespmem:$0x10300] =	vst v63  }
0x8e: {  	s4 =	simm.s32 @!p0 $0x6C00;
	s5 =	simm.s32 @!p0 $0xC300  }
0x8f: {  	[tilespmem:s5], [sflag:$0x1] =	stream.indirect.gather @!p0 [hbm4b:s3+s6], $0x10, s4, s6, $0xb8;
	[tilespmem:$0x10300] =	vst v63  }
0x90: {  	_ =	swait.ge [sflag:s11], $0x800  }
0x91: {  	[sflag:s11] =	ssyncset.done $0x0  }
0x92: {  	s7 =	sadd.s32 $0x700, s8;
	[sflag:s11] =	ssyncadd.s32 $0xFFFFF800  }
0x93: {  	[hbm4b:s7+s2] =	stream.linear.scatter [tilespmem:s25], [sflag:$0x3], $0x800, $0x38;
	[tilespmem:$0x10300] =	vst v63  }
0x94: {  	_ =	swait.ge [sflag:s9], $0x800  }
0x95: {  	[sflag:s9] =	ssyncset.done $0x0  }
0x96: {  	[sflag:s9] =	ssyncadd.s32 $0xFFFFF800  }
0x97: {  	_ =	swait.ge [sflag:s11], $0x800  }
0x98: {  	[sflag:s11] =	ssyncset.done $0x0  }
0x99: {  	s13 =	sadd.s32 $0x800, s8;
	[sflag:s11] =	ssyncadd.s32 $0xFFFFF800  }
0x9a: {  	[hbm4b:s13+s2] =	stream.linear.scatter [tilespmem:s26], [sflag:$0x3], $0x800, $0x38;
	[tilespmem:$0x10300] =	vst v63  }
0x9b: {  	_ =	swait.ge [sflag:s9], $0x800  }
0x9c: {  	[sflag:s9] =	ssyncset.done $0x0  }
0x9d: {  	[sflag:s9] =	ssyncadd.s32 $0xFFFFF800  }
0x9e: {  	_ =	swait.ge [sflag:s11], $0x800  }
0x9f: {  	[sflag:s11] =	ssyncset.done $0x0  }
0xa0: {  	s15 =	sadd.s32 $0x900, s8;
	[sflag:s11] =	ssyncadd.s32 $0xFFFFF800  }
0xa1: {  	[hbm4b:s15+s2] =	stream.linear.scatter [tilespmem:s28], [sflag:$0x3], $0x800, $0x38;
	[tilespmem:$0x10300] =	vst v63  }
0xa2: {  	_ =	swait.ge [sflag:s9], $0x800  }
0xa3: {  	[sflag:s9] =	ssyncset.done $0x0  }
0xa4: {  	[sflag:s9] =	ssyncadd.s32 $0xFFFFF800  }
0xa5: {  	_ =	swait.ge [sflag:s11], $0x800  }
0xa6: {  	[sflag:s11] =	ssyncset.done $0x0  }
0xa7: {  	s17 =	sadd.s32 $0xA00, s8;
	[sflag:s11] =	ssyncadd.s32 $0xFFFFF800  }
0xa8: {  	[hbm4b:s17+s2] =	stream.linear.scatter [tilespmem:s29], [sflag:$0x3], $0x800, $0x38;
	[tilespmem:$0x10300] =	vst v63  }
0xa9: {  	_ =	swait.ge [sflag:s9], $0x800  }
0xaa: {  	[sflag:s9] =	ssyncset.done $0x0  }
0xab: {  	[sflag:s9] =	ssyncadd.s32 $0xFFFFF800  }
0xac: {  	_ =	swait.ge [sflag:s11], $0x800  }
0xad: {  	[sflag:s11] =	ssyncset.done $0x0  }
0xae: {  	s19 =	sadd.s32 $0xB00, s8;
	[sflag:s11] =	ssyncadd.s32 $0xFFFFF800  }
0xaf: {  	[hbm4b:s19+s2] =	stream.linear.scatter [tilespmem:s30], [sflag:$0x3], $0x800, $0x38;
	[tilespmem:$0x10300] =	vst v63  }
0xb0: {  	_ =	swait.ge [sflag:s9], $0x800  }
0xb1: {  	[sflag:s9] =	ssyncset.done $0x0  }
0xb2: {  	[sflag:s9] =	ssyncadd.s32 $0xFFFFF800  }
0xb3: {  	_ =	swait.ge [sflag:s11], $0x800  }
0xb4: {  	[sflag:s11] =	ssyncset.done $0x0  }
0xb5: {  	s21 =	sadd.s32 $0xC00, s8;
	[sflag:s11] =	ssyncadd.s32 $0xFFFFF800  }
0xb6: {  	[hbm4b:s21+s2] =	stream.linear.scatter [tilespmem:s31], [sflag:$0x3], $0x800, $0x38;
	[tilespmem:$0x10300] =	vst v63  }
0xb7: {  	_ =	swait.ge [sflag:s9], $0x800  }
0xb8: {  	[sflag:s9] =	ssyncset.done $0x0  }
0xb9: {  	[sflag:s9] =	ssyncadd.s32 $0xFFFFF800  }
0xba: {  	_ =	swait.ge [sflag:s11], $0x800  }
0xbb: {  	[sflag:s11] =	ssyncset.done $0x0  }
0xbc: {  	s23 =	sadd.s32 $0xD00, s8;
	[sflag:s11] =	ssyncadd.s32 $0xFFFFF800  }
0xbd: {  	[hbm4b:s23+s2] =	stream.linear.scatter [tilespmem:s0], [sflag:$0x3], $0x800, $0x38;
	[tilespmem:$0x10300] =	vst v63  }
0xbe: {  	s15 =	sadd.s32 $0xE00, s8;
	s17 =	simm.s32 $0x1C00;
	_ =	swait.ge [sflag:s9], $0x800  }
0xbf: {  	s19 =	simm.s32 $0x3800;
	s23 =	simm.s32 $0x700;
	[sflag:s9] =	ssyncset.done $0x0  }
.LBB2_6:
0xc0: {  	s4 =	sadd.s32 $0x6580, s23  }
0xc1: {  	[sflag:s9] =	ssyncadd.s32 $0xFFFFF800;
	s21 =	smov.u32 s19;
	s19 =	sadd.s32 $0x1C00, s19  }
0xc2: {  	[tilespmem:s25], [sflag:$0x2] =	stream.indirect.gather [hbm4b:s3+s10], $0x10, s4, s10, $0xb8;
	[tilespmem:$0x10300] =	vst v63  }
0xc3: {  	p0 =	sne.s32 s19, $0xC400;
	s4 =	sadd.s32 $0x6600, s23  }
0xc4: {  	[tilespmem:s26], [sflag:$0x2] =	stream.indirect.gather [hbm4b:s3+s10], $0x10, s4, s10, $0xb8;
	[tilespmem:$0x10300] =	vst v63  }
0xc5: {  	s4 =	sadd.s32 $0x6680, s23  }
0xc6: {  	[tilespmem:s28], [sflag:$0x2] =	stream.indirect.gather [hbm4b:s3+s10], $0x10, s4, s10, $0xb8;
	[tilespmem:$0x10300] =	vst v63  }
0xc7: {  	s4 =	sadd.s32 $0x6700, s23  }
0xc8: {  	[tilespmem:s29], [sflag:$0x2] =	stream.indirect.gather [hbm4b:s3+s10], $0x10, s4, s10, $0xb8;
	[tilespmem:$0x10300] =	vst v63  }
0xc9: {  	s4 =	sadd.s32 $0x6780, s23  }
0xca: {  	[tilespmem:s30], [sflag:$0x2] =	stream.indirect.gather [hbm4b:s3+s10], $0x10, s4, s10, $0xb8;
	[tilespmem:$0x10300] =	vst v63  }
0xcb: {  	s4 =	sadd.s32 $0x6800, s23  }
0xcc: {  	[tilespmem:s31], [sflag:$0x2] =	stream.indirect.gather [hbm4b:s3+s10], $0x10, s4, s10, $0xb8;
	[tilespmem:$0x10300] =	vst v63  }
0xcd: {  	s4 =	sadd.s32 $0x6880, s23  }
0xce: {  	[tilespmem:s0], [sflag:$0x2] =	stream.indirect.gather [hbm4b:s3+s10], $0x10, s4, s10, $0xb8;
	[tilespmem:$0x10300] =	vst v63  }
0xcf: {  	_ =	swait.ge [sflag:s1], $0x800  }
0xd0: {  	[sflag:s1] =	ssyncset.done $0x0  }
0xd1: {  	[sflag:s1] =	ssyncadd.s32 $0xFFFFF800  }
0xd2: {  	[hbm4b:s15+s2] =	stream.linear.scatter [tilespmem:s12], [sflag:$0x3], $0x800, $0x38;
	[tilespmem:$0x10300] =	vst v63  }
0xd3: {  	_ =	swait.ge [sflag:s9], $0x800  }
0xd4: {  	[sflag:s9] =	ssyncset.done $0x0  }
0xd5: {  	[sflag:s9] =	ssyncadd.s32 $0xFFFFF800  }
0xd6: {  	_ =	swait.ge [sflag:s1], $0x800  }
0xd7: {  	[sflag:s1] =	ssyncset.done $0x0  }
0xd8: {  	s4 =	sadd.s32 $0x100, s15;
	[sflag:s1] =	ssyncadd.s32 $0xFFFFF800  }
0xd9: {  	[hbm4b:s4+s2] =	stream.linear.scatter [tilespmem:s14], [sflag:$0x3], $0x800, $0x38;
	[tilespmem:$0x10300] =	vst v63  }
0xda: {  	_ =	swait.ge [sflag:s9], $0x800  }
0xdb: {  	[sflag:s9] =	ssyncset.done $0x0  }
0xdc: {  	[sflag:s9] =	ssyncadd.s32 $0xFFFFF800  }
0xdd: {  	_ =	swait.ge [sflag:s1], $0x800  }
0xde: {  	[sflag:s1] =	ssyncset.done $0x0  }
0xdf: {  	s4 =	sadd.s32 $0x200, s15;
	[sflag:s1] =	ssyncadd.s32 $0xFFFFF800  }
0xe0: {  	[hbm4b:s4+s2] =	stream.linear.scatter [tilespmem:s16], [sflag:$0x3], $0x800, $0x38;
	[tilespmem:$0x10300] =	vst v63  }
0xe1: {  	_ =	swait.ge [sflag:s9], $0x800  }
0xe2: {  	[sflag:s9] =	ssyncset.done $0x0  }
0xe3: {  	[sflag:s9] =	ssyncadd.s32 $0xFFFFF800  }
0xe4: {  	_ =	swait.ge [sflag:s1], $0x800  }
0xe5: {  	[sflag:s1] =	ssyncset.done $0x0  }
0xe6: {  	s4 =	sadd.s32 $0x300, s15;
	[sflag:s1] =	ssyncadd.s32 $0xFFFFF800  }
0xe7: {  	[hbm4b:s4+s2] =	stream.linear.scatter [tilespmem:s18], [sflag:$0x3], $0x800, $0x38;
	[tilespmem:$0x10300] =	vst v63  }
0xe8: {  	_ =	swait.ge [sflag:s9], $0x800  }
0xe9: {  	[sflag:s9] =	ssyncset.done $0x0  }
0xea: {  	[sflag:s9] =	ssyncadd.s32 $0xFFFFF800  }
0xeb: {  	_ =	swait.ge [sflag:s1], $0x800  }
0xec: {  	[sflag:s1] =	ssyncset.done $0x0  }
0xed: {  	s4 =	sadd.s32 $0x400, s15;
	[sflag:s1] =	ssyncadd.s32 $0xFFFFF800  }
0xee: {  	[hbm4b:s4+s2] =	stream.linear.scatter [tilespmem:s20], [sflag:$0x3], $0x800, $0x38;
	[tilespmem:$0x10300] =	vst v63  }
0xef: {  	_ =	swait.ge [sflag:s9], $0x800  }
0xf0: {  	[sflag:s9] =	ssyncset.done $0x0  }
0xf1: {  	[sflag:s9] =	ssyncadd.s32 $0xFFFFF800  }
0xf2: {  	_ =	swait.ge [sflag:s1], $0x800  }
0xf3: {  	[sflag:s1] =	ssyncset.done $0x0  }
0xf4: {  	s4 =	sadd.s32 $0x500, s15;
	[sflag:s1] =	ssyncadd.s32 $0xFFFFF800  }
0xf5: {  	[hbm4b:s4+s2] =	stream.linear.scatter [tilespmem:s22], [sflag:$0x3], $0x800, $0x38;
	[tilespmem:$0x10300] =	vst v63  }
0xf6: {  	_ =	swait.ge [sflag:s9], $0x800  }
0xf7: {  	[sflag:s9] =	ssyncset.done $0x0  }
0xf8: {  	[sflag:s9] =	ssyncadd.s32 $0xFFFFF800  }
0xf9: {  	_ =	swait.ge [sflag:s1], $0x800  }
0xfa: {  	[sflag:s1] =	ssyncset.done $0x0  }
0xfb: {  	s4 =	sadd.s32 $0x600, s15;
	[sflag:s1] =	ssyncadd.s32 $0xFFFFF800  }
0xfc: {  	[hbm4b:s4+s2] =	stream.linear.scatter [tilespmem:s24], [sflag:$0x3], $0x800, $0x38;
	[tilespmem:$0x10300] =	vst v63  }
0xfd: {  	p1 =	seq.s32 s17, $0xA800;
	_ =	swait.ge [sflag:s9], $0x800  }
0xfe: {  	s5 =	simm.s32 @!p1 $0x9300;
	s4 =	sshra.s32 @!p1 s17, $0x2;
	[sflag:s9] =	ssyncset.done $0x0  }
0xff: {  	s7 =	simm.s32 @!p1 $0x80;
	s6 =	sadd.s32 @!p1 $0x6900, s4;
	[sflag:s9] =	ssyncadd.s32 $0xFFFFF800  }
0x100: {  	[tilespmem:s5], [sflag:$0x1] =	stream.indirect.gather @!p1 [hbm4b:s3+s7], $0x10, s6, s7, $0xb8;
	[tilespmem:$0x10300] =	vst v63  }
0x101: {  	s17 =	sadd.s32 @!p1 $0x6A00, s4;
	s5 =	sadd.s32 @!p1 $0x6980, s4;
	s6 =	simm.s32 @!p1 $0x9B00  }
0x102: {  	[tilespmem:s6], [sflag:$0x1] =	stream.indirect.gather @!p1 [hbm4b:s3+s7], $0x10, s5, s7, $0xb8;
	[tilespmem:$0x10300] =	vst v63  }
0x103: {  	s23 =	sadd.s32 @!p1 $0x6B00, s4;
	s5 =	simm.s32 @!p1 $0xA300;
	s6 =	sadd.s32 @!p1 $0x6A80, s4  }
0x104: {  	[tilespmem:s5], [sflag:$0x1] =	stream.indirect.gather @!p1 [hbm4b:s3+s7], $0x10, s17, s7, $0xb8;
	[tilespmem:$0x10300] =	vst v63  }
0x105: {  	s13 =	sadd.s32 @!p1 $0x6B80, s4;
	s4 =	sadd.s32 @!p1 $0x6C00, s4;
	s5 =	simm.s32 @!p1 $0xAB00  }
0x106: {  	[tilespmem:s5], [sflag:$0x1] =	stream.indirect.gather @!p1 [hbm4b:s3+s7], $0x10, s6, s7, $0xb8;
	[tilespmem:$0x10300] =	vst v63  }
0x107: {  	s17 =	smov.u32 s21;
	s5 =	simm.s32 @!p1 $0xB300  }
0x108: {  	[tilespmem:s5], [sflag:$0x1] =	stream.indirect.gather @!p1 [hbm4b:s3+s7], $0x10, s23, s7, $0xb8;
	[tilespmem:$0x10300] =	vst v63  }
0x109: {  	s5 =	simm.s32 @!p1 $0xBB00  }
0x10a: {  	[tilespmem:s5], [sflag:$0x1] =	stream.indirect.gather @!p1 [hbm4b:s3+s7], $0x10, s13, s7, $0xb8;
	[tilespmem:$0x10300] =	vst v63  }
0x10b: {  	s5 =	simm.s32 @!p1 $0xC300  }
0x10c: {  	[tilespmem:s5], [sflag:$0x1] =	stream.indirect.gather @!p1 [hbm4b:s3+s7], $0x10, s4, s7, $0xb8;
	[tilespmem:$0x10300] =	vst v63  }
0x10d: {  	_ =	swait.ge [sflag:s11], $0x800  }
0x10e: {  	[sflag:s11] =	ssyncset.done $0x0  }
0x10f: {  	s4 =	sadd.s32 $0x700, s15;
	[sflag:s11] =	ssyncadd.s32 $0xFFFFF800  }
0x110: {  	[hbm4b:s4+s2] =	stream.linear.scatter [tilespmem:s25], [sflag:$0x3], $0x800, $0x38;
	[tilespmem:$0x10300] =	vst v63  }
0x111: {  	_ =	swait.ge [sflag:s9], $0x800  }
0x112: {  	[sflag:s9] =	ssyncset.done $0x0  }
0x113: {  	[sflag:s9] =	ssyncadd.s32 $0xFFFFF800  }
0x114: {  	_ =	swait.ge [sflag:s11], $0x800  }
0x115: {  	[sflag:s11] =	ssyncset.done $0x0  }
0x116: {  	s4 =	sadd.s32 $0x800, s15;
	[sflag:s11] =	ssyncadd.s32 $0xFFFFF800  }
0x117: {  	[hbm4b:s4+s2] =	stream.linear.scatter [tilespmem:s26], [sflag:$0x3], $0x800, $0x38;
	[tilespmem:$0x10300] =	vst v63  }
0x118: {  	_ =	swait.ge [sflag:s9], $0x800  }
0x119: {  	[sflag:s9] =	ssyncset.done $0x0  }
0x11a: {  	[sflag:s9] =	ssyncadd.s32 $0xFFFFF800  }
0x11b: {  	_ =	swait.ge [sflag:s11], $0x800  }
0x11c: {  	[sflag:s11] =	ssyncset.done $0x0  }
0x11d: {  	s4 =	sadd.s32 $0x900, s15;
	[sflag:s11] =	ssyncadd.s32 $0xFFFFF800  }
0x11e: {  	[hbm4b:s4+s2] =	stream.linear.scatter [tilespmem:s28], [sflag:$0x3], $0x800, $0x38;
	[tilespmem:$0x10300] =	vst v63  }
0x11f: {  	_ =	swait.ge [sflag:s9], $0x800  }
0x120: {  	[sflag:s9] =	ssyncset.done $0x0  }
0x121: {  	[sflag:s9] =	ssyncadd.s32 $0xFFFFF800  }
0x122: {  	_ =	swait.ge [sflag:s11], $0x800  }
0x123: {  	[sflag:s11] =	ssyncset.done $0x0  }
0x124: {  	s4 =	sadd.s32 $0xA00, s15;
	[sflag:s11] =	ssyncadd.s32 $0xFFFFF800  }
0x125: {  	[hbm4b:s4+s2] =	stream.linear.scatter [tilespmem:s29], [sflag:$0x3], $0x800, $0x38;
	[tilespmem:$0x10300] =	vst v63  }
0x126: {  	_ =	swait.ge [sflag:s9], $0x800  }
0x127: {  	[sflag:s9] =	ssyncset.done $0x0  }
0x128: {  	[sflag:s9] =	ssyncadd.s32 $0xFFFFF800  }
0x129: {  	_ =	swait.ge [sflag:s11], $0x800  }
0x12a: {  	[sflag:s11] =	ssyncset.done $0x0  }
0x12b: {  	s4 =	sadd.s32 $0xB00, s15;
	[sflag:s11] =	ssyncadd.s32 $0xFFFFF800  }
0x12c: {  	[hbm4b:s4+s2] =	stream.linear.scatter [tilespmem:s30], [sflag:$0x3], $0x800, $0x38;
	[tilespmem:$0x10300] =	vst v63  }
0x12d: {  	_ =	swait.ge [sflag:s9], $0x800  }
0x12e: {  	[sflag:s9] =	ssyncset.done $0x0  }
0x12f: {  	[sflag:s9] =	ssyncadd.s32 $0xFFFFF800  }
0x130: {  	_ =	swait.ge [sflag:s11], $0x800  }
0x131: {  	[sflag:s11] =	ssyncset.done $0x0  }
0x132: {  	s4 =	sadd.s32 $0xC00, s15;
	[sflag:s11] =	ssyncadd.s32 $0xFFFFF800  }
0x133: {  	[hbm4b:s4+s2] =	stream.linear.scatter [tilespmem:s31], [sflag:$0x3], $0x800, $0x38;
	[tilespmem:$0x10300] =	vst v63  }
0x134: {  	_ =	swait.ge [sflag:s9], $0x800  }
0x135: {  	[sflag:s9] =	ssyncset.done $0x0  }
0x136: {  	[sflag:s9] =	ssyncadd.s32 $0xFFFFF800  }
0x137: {  	_ =	swait.ge [sflag:s11], $0x800  }
.Ltmp2:
0x138: {  	[sflag:s11] =	ssyncset.done $0x0;
	(pc) =	sbr.rel @p0 .LBB2_6-.Ltmp2, $4  }
0x139: {  	s4 =	sadd.s32 $0xD00, s15;
	[sflag:s11] =	ssyncadd.s32 $0xFFFFF800  }
0x13a: {  	[hbm4b:s4+s2] =	stream.linear.scatter [tilespmem:s0], [sflag:$0x3], $0x800, $0x38;
	[tilespmem:$0x10300] =	vst v63  }
0x13b: {  	_ =	swait.ge [sflag:s9], $0x800  }
0x13c: {  	s23 =	sshra.s32 s17, $0x2;
	s15 =	sadd.s32 $0xE00, s15;
	[sflag:s9] =	ssyncset.done $0x0  }
0x13d: {  	s4 =	sadd.s32 $0x6580, s23;
	[sflag:s9] =	ssyncadd.s32 $0xFFFFF800  }
0x13e: {  	[tilespmem:s25], [sflag:$0x2] =	stream.indirect.gather [hbm4b:s3+s10], $0x10, s4, s10, $0xb8;
	[tilespmem:$0x10300] =	vst v63  }
0x13f: {  	s6 =	sadd.s32 $0x6600, s23  }
0x140: {  	[tilespmem:s26], [sflag:$0x2] =	stream.indirect.gather [hbm4b:s3+s10], $0x10, s6, s10, $0xb8;
	[tilespmem:$0x10300] =	vst v63  }
0x141: {  	s7 =	sadd.s32 $0x6680, s23  }
0x142: {  	[tilespmem:s28], [sflag:$0x2] =	stream.indirect.gather [hbm4b:s3+s10], $0x10, s7, s10, $0xb8;
	[tilespmem:$0x10300] =	vst v63  }
0x143: {  	s13 =	sadd.s32 $0x6700, s23  }
0x144: {  	[tilespmem:s29], [sflag:$0x2] =	stream.indirect.gather [hbm4b:s3+s10], $0x10, s13, s10, $0xb8;
	[tilespmem:$0x10300] =	vst v63  }
0x145: {  	s19 =	sadd.s32 $0x6780, s23  }
0x146: {  	[tilespmem:s30], [sflag:$0x2] =	stream.indirect.gather [hbm4b:s3+s10], $0x10, s19, s10, $0xb8;
	[tilespmem:$0x10300] =	vst v63  }
0x147: {  	s21 =	sadd.s32 $0x6800, s23  }
0x148: {  	[tilespmem:s31], [sflag:$0x2] =	stream.indirect.gather [hbm4b:s3+s10], $0x10, s21, s10, $0xb8;
	[tilespmem:$0x10300] =	vst v63  }
0x149: {  	s23 =	sadd.s32 $0x6880, s23  }
0x14a: {  	[tilespmem:s0], [sflag:$0x2] =	stream.indirect.gather [hbm4b:s3+s10], $0x10, s23, s10, $0xb8;
	[tilespmem:$0x10300] =	vst v63  }
0x14b: {  	_ =	swait.ge [sflag:s1], $0x800  }
0x14c: {  	[sflag:s1] =	ssyncset.done $0x0  }
0x14d: {  	[sflag:s1] =	ssyncadd.s32 $0xFFFFF800  }
0x14e: {  	[hbm4b:s15+s2] =	stream.linear.scatter [tilespmem:s12], [sflag:$0x3], $0x800, $0x38;
	[tilespmem:$0x10300] =	vst v63  }
0x14f: {  	_ =	swait.ge [sflag:s9], $0x800  }
0x150: {  	[sflag:s9] =	ssyncset.done $0x0  }
0x151: {  	[sflag:s9] =	ssyncadd.s32 $0xFFFFF800  }
0x152: {  	_ =	swait.ge [sflag:s1], $0x800  }
0x153: {  	[sflag:s1] =	ssyncset.done $0x0  }
0x154: {  	s5 =	sadd.s32 $0x100, s15;
	[sflag:s1] =	ssyncadd.s32 $0xFFFFF800  }
0x155: {  	[hbm4b:s5+s2] =	stream.linear.scatter [tilespmem:s14], [sflag:$0x3], $0x800, $0x38;
	[tilespmem:$0x10300] =	vst v63  }
0x156: {  	_ =	swait.ge [sflag:s9], $0x800  }
0x157: {  	[sflag:s9] =	ssyncset.done $0x0  }
0x158: {  	[sflag:s9] =	ssyncadd.s32 $0xFFFFF800  }
0x159: {  	_ =	swait.ge [sflag:s1], $0x800  }
0x15a: {  	[sflag:s1] =	ssyncset.done $0x0  }
0x15b: {  	s6 =	sadd.s32 $0x200, s15;
	[sflag:s1] =	ssyncadd.s32 $0xFFFFF800  }
0x15c: {  	[hbm4b:s6+s2] =	stream.linear.scatter [tilespmem:s16], [sflag:$0x3], $0x800, $0x38;
	[tilespmem:$0x10300] =	vst v63  }
0x15d: {  	_ =	swait.ge [sflag:s9], $0x800  }
0x15e: {  	[sflag:s9] =	ssyncset.done $0x0  }
0x15f: {  	[sflag:s9] =	ssyncadd.s32 $0xFFFFF800  }
0x160: {  	_ =	swait.ge [sflag:s1], $0x800  }
0x161: {  	[sflag:s1] =	ssyncset.done $0x0  }
0x162: {  	s7 =	sadd.s32 $0x300, s15;
	[sflag:s1] =	ssyncadd.s32 $0xFFFFF800  }
0x163: {  	[hbm4b:s7+s2] =	stream.linear.scatter [tilespmem:s18], [sflag:$0x3], $0x800, $0x38;
	[tilespmem:$0x10300] =	vst v63  }
0x164: {  	_ =	swait.ge [sflag:s9], $0x800  }
0x165: {  	[sflag:s9] =	ssyncset.done $0x0  }
0x166: {  	[sflag:s9] =	ssyncadd.s32 $0xFFFFF800  }
0x167: {  	_ =	swait.ge [sflag:s1], $0x800  }
0x168: {  	[sflag:s1] =	ssyncset.done $0x0  }
0x169: {  	s13 =	sadd.s32 $0x400, s15;
	[sflag:s1] =	ssyncadd.s32 $0xFFFFF800  }
0x16a: {  	[hbm4b:s13+s2] =	stream.linear.scatter [tilespmem:s20], [sflag:$0x3], $0x800, $0x38;
	[tilespmem:$0x10300] =	vst v63  }
0x16b: {  	_ =	swait.ge [sflag:s9], $0x800  }
0x16c: {  	[sflag:s9] =	ssyncset.done $0x0  }
0x16d: {  	[sflag:s9] =	ssyncadd.s32 $0xFFFFF800  }
0x16e: {  	_ =	swait.ge [sflag:s1], $0x800  }
0x16f: {  	[sflag:s1] =	ssyncset.done $0x0  }
0x170: {  	s19 =	sadd.s32 $0x500, s15;
	[sflag:s1] =	ssyncadd.s32 $0xFFFFF800  }
0x171: {  	[hbm4b:s19+s2] =	stream.linear.scatter [tilespmem:s22], [sflag:$0x3], $0x800, $0x38;
	[tilespmem:$0x10300] =	vst v63  }
0x172: {  	_ =	swait.ge [sflag:s9], $0x800  }
0x173: {  	[sflag:s9] =	ssyncset.done $0x0  }
0x174: {  	[sflag:s9] =	ssyncadd.s32 $0xFFFFF800  }
0x175: {  	_ =	swait.ge [sflag:s1], $0x800  }
0x176: {  	[sflag:s1] =	ssyncset.done $0x0  }
0x177: {  	s21 =	sadd.s32 $0x600, s15;
	[sflag:s1] =	ssyncadd.s32 $0xFFFFF800  }
0x178: {  	[hbm4b:s21+s2] =	stream.linear.scatter [tilespmem:s24], [sflag:$0x3], $0x800, $0x38;
	[tilespmem:$0x10300] =	vst v63  }
0x179: {  	p0 =	seq.s32 s17, $0xA800;
	_ =	swait.ge [sflag:s9], $0x800  }
0x17a: {  	s4 =	sshra.s32 @!p0 s17, $0x2;
	s5 =	simm.s32 @!p0 $0x9300;
	[sflag:s9] =	ssyncset.done $0x0  }
0x17b: {  	s6 =	sadd.s32 @!p0 $0x6900, s4;
	s7 =	simm.s32 @!p0 $0x80;
	[sflag:s9] =	ssyncadd.s32 $0xFFFFF800  }
0x17c: {  	[tilespmem:s5], [sflag:$0x1] =	stream.indirect.gather @!p0 [hbm4b:s3+s7], $0x10, s6, s7, $0xb8;
	[tilespmem:$0x10300] =	vst v63  }
0x17d: {  	s5 =	sadd.s32 @!p0 $0x6980, s4;
	s6 =	simm.s32 @!p0 $0x9B00  }
0x17e: {  	[tilespmem:s6], [sflag:$0x1] =	stream.indirect.gather @!p0 [hbm4b:s3+s7], $0x10, s5, s7, $0xb8;
	[tilespmem:$0x10300] =	vst v63  }
0x17f: {  	s5 =	sadd.s32 @!p0 $0x6A00, s4;
	s6 =	simm.s32 @!p0 $0xA300  }
0x180: {  	[tilespmem:s6], [sflag:$0x1] =	stream.indirect.gather @!p0 [hbm4b:s3+s7], $0x10, s5, s7, $0xb8;
	[tilespmem:$0x10300] =	vst v63  }
0x181: {  	s5 =	sadd.s32 @!p0 $0x6A80, s4;
	s6 =	simm.s32 @!p0 $0xAB00  }
0x182: {  	[tilespmem:s6], [sflag:$0x1] =	stream.indirect.gather @!p0 [hbm4b:s3+s7], $0x10, s5, s7, $0xb8;
	[tilespmem:$0x10300] =	vst v63  }
0x183: {  	s5 =	sadd.s32 @!p0 $0x6B00, s4;
	s6 =	simm.s32 @!p0 $0xB300  }
0x184: {  	[tilespmem:s6], [sflag:$0x1] =	stream.indirect.gather @!p0 [hbm4b:s3+s7], $0x10, s5, s7, $0xb8;
	[tilespmem:$0x10300] =	vst v63  }
0x185: {  	s5 =	sadd.s32 @!p0 $0x6B80, s4;
	s6 =	simm.s32 @!p0 $0xBB00  }
0x186: {  	[tilespmem:s6], [sflag:$0x1] =	stream.indirect.gather @!p0 [hbm4b:s3+s7], $0x10, s5, s7, $0xb8;
	[tilespmem:$0x10300] =	vst v63  }
0x187: {  	s4 =	sadd.s32 @!p0 $0x6C00, s4;
	s5 =	simm.s32 @!p0 $0xC300  }
0x188: {  	[tilespmem:s5], [sflag:$0x1] =	stream.indirect.gather @!p0 [hbm4b:s3+s7], $0x10, s4, s7, $0xb8;
	[tilespmem:$0x10300] =	vst v63  }
0x189: {  	_ =	swait.ge [sflag:s11], $0x800  }
0x18a: {  	[sflag:s11] =	ssyncset.done $0x0  }
0x18b: {  	s23 =	sadd.s32 $0x700, s15;
	[sflag:s11] =	ssyncadd.s32 $0xFFFFF800  }
0x18c: {  	[hbm4b:s23+s2] =	stream.linear.scatter [tilespmem:s25], [sflag:$0x3], $0x800, $0x38;
	[tilespmem:$0x10300] =	vst v63  }
0x18d: {  	_ =	swait.ge [sflag:s9], $0x800  }
0x18e: {  	[sflag:s9] =	ssyncset.done $0x0  }
0x18f: {  	[sflag:s9] =	ssyncadd.s32 $0xFFFFF800  }
0x190: {  	_ =	swait.ge [sflag:s11], $0x800  }
0x191: {  	[sflag:s11] =	ssyncset.done $0x0  }
0x192: {  	s5 =	sadd.s32 $0x800, s15;
	[sflag:s11] =	ssyncadd.s32 $0xFFFFF800  }
0x193: {  	[hbm4b:s5+s2] =	stream.linear.scatter [tilespmem:s26], [sflag:$0x3], $0x800, $0x38;
	[tilespmem:$0x10300] =	vst v63  }
0x194: {  	_ =	swait.ge [sflag:s9], $0x800  }
0x195: {  	[sflag:s9] =	ssyncset.done $0x0  }
0x196: {  	[sflag:s9] =	ssyncadd.s32 $0xFFFFF800  }
0x197: {  	_ =	swait.ge [sflag:s11], $0x800  }
0x198: {  	[sflag:s11] =	ssyncset.done $0x0  }
0x199: {  	s6 =	sadd.s32 $0x900, s15;
	[sflag:s11] =	ssyncadd.s32 $0xFFFFF800  }
0x19a: {  	[hbm4b:s6+s2] =	stream.linear.scatter [tilespmem:s28], [sflag:$0x3], $0x800, $0x38;
	[tilespmem:$0x10300] =	vst v63  }
0x19b: {  	_ =	swait.ge [sflag:s9], $0x800  }
0x19c: {  	[sflag:s9] =	ssyncset.done $0x0  }
0x19d: {  	[sflag:s9] =	ssyncadd.s32 $0xFFFFF800  }
0x19e: {  	_ =	swait.ge [sflag:s11], $0x800  }
0x19f: {  	[sflag:s11] =	ssyncset.done $0x0  }
0x1a0: {  	s7 =	sadd.s32 $0xA00, s15;
	[sflag:s11] =	ssyncadd.s32 $0xFFFFF800  }
0x1a1: {  	[hbm4b:s7+s2] =	stream.linear.scatter [tilespmem:s29], [sflag:$0x3], $0x800, $0x38;
	[tilespmem:$0x10300] =	vst v63  }
0x1a2: {  	_ =	swait.ge [sflag:s9], $0x800  }
0x1a3: {  	[sflag:s9] =	ssyncset.done $0x0  }
0x1a4: {  	[sflag:s9] =	ssyncadd.s32 $0xFFFFF800  }
0x1a5: {  	_ =	swait.ge [sflag:s11], $0x800  }
0x1a6: {  	[sflag:s11] =	ssyncset.done $0x0  }
0x1a7: {  	s13 =	sadd.s32 $0xB00, s15;
	[sflag:s11] =	ssyncadd.s32 $0xFFFFF800  }
0x1a8: {  	[hbm4b:s13+s2] =	stream.linear.scatter [tilespmem:s30], [sflag:$0x3], $0x800, $0x38;
	[tilespmem:$0x10300] =	vst v63  }
0x1a9: {  	_ =	swait.ge [sflag:s9], $0x800  }
0x1aa: {  	[sflag:s9] =	ssyncset.done $0x0  }
0x1ab: {  	[sflag:s9] =	ssyncadd.s32 $0xFFFFF800  }
0x1ac: {  	_ =	swait.ge [sflag:s11], $0x800  }
0x1ad: {  	[sflag:s11] =	ssyncset.done $0x0  }
0x1ae: {  	s17 =	sadd.s32 $0xC00, s15;
	[sflag:s11] =	ssyncadd.s32 $0xFFFFF800  }
0x1af: {  	[hbm4b:s17+s2] =	stream.linear.scatter [tilespmem:s31], [sflag:$0x3], $0x800, $0x38;
	[tilespmem:$0x10300] =	vst v63  }
0x1b0: {  	_ =	swait.ge [sflag:s9], $0x800  }
0x1b1: {  	[sflag:s9] =	ssyncset.done $0x0  }
0x1b2: {  	[sflag:s9] =	ssyncadd.s32 $0xFFFFF800  }
0x1b3: {  	_ =	swait.ge [sflag:s11], $0x800  }
0x1b4: {  	[sflag:s11] =	ssyncset.done $0x0  }
0x1b5: {  	s19 =	sadd.s32 $0xD00, s15;
	[sflag:s11] =	ssyncadd.s32 $0xFFFFF800  }
0x1b6: {  	[hbm4b:s19+s2] =	stream.linear.scatter [tilespmem:s0], [sflag:$0x3], $0x800, $0x38;
	[tilespmem:$0x10300] =	vst v63  }
0x1b7: {  	_ =	swait.ge [sflag:s9], $0x800  }
0x1b8: {  	s21 =	rddreg [dreg:$0x7]  }
0x1b9: {  	s23 =	rddreg [dreg:$0x6];
	s5 =	sadd.s32 $0x1, s21  }
0x1ba: {  	p0 =	sne.s32 s5, s23  }
.Ltmp3:
0x1bb: {  	_ = 	snop;
	(pc) =	sbr.rel @p0 .LBB2_1-.Ltmp3, $3  }
0x1bc: {  	_ =	sdelay $0x1  }
0x1bd: {  	[sflag:s9] =	ssyncset.done $0x0  }
0x1be: {  	[sflag:s9] =	ssyncadd.s32 $0xFFFFF800  }
0x1bf: {  	_ =	sfence.sel $0x180000  }
0x1c0: {  	[bflag:$0x0] =	sbarrier.arrive $0xFFFF  }
0x1c1: {  	_ =	strace $0x90000047  }
0x1c2: {  	s0 =	stileid.u32;
	[bflag:$0x2] =	sbarrier.arrive $0xFFFF  }
0x1c3: {  	p0 =	sne.s32 s0, $0x0;
	s0 =	rddreg [dreg:$0x2]  }
0x1c4: {  	s0 =	sadd.s32 @!p0 $0x100000, s0  }
0x1c5: {  	[sflag:s0] =	ssyncadd.tile.s32 @!p0 $0x1;
	_ =	shalt  }
.Lfunc_end2:
_tile_overlayer_lowered:
.L_overlay_start_2:
0x1c6: {  	(tag) =	ssettag $0x2  }
0x1c7: {  	s0 =	rddreg [dreg:$0x0];
	s2 =	stileid.u32  }
0x1c8: {  	s1 =	rddreg [dreg:$0x1];
	p0 =	sne.s32 s2, $0x0  }
0x1c9: {  	s3 =	rddreg [dreg:$0x2];
	[bflag:$0x3] =	sbarrier.arrive $0xFFFF;
	s2 =	simm.s32 @!p0 $0x1C03  }
0x1ca: {  	[timem:s3], [sflag:s2] =	dma.local @!p0 [hbm:s0], s1  }
0x1cb: {  	s0 =	simm.s32 @!p0 $0x3  }
0x1cc: {  	_ =	swait.ge @!p0 [sflag:s0], s1  }
0x1cd: {  	s1 =	ssub.s32 @!p0 $0x0, s1;
	[sflag:s0] =	ssyncset.done @!p0 $0x0  }
0x1ce: {  	[sflag:s0] =	ssyncadd.s32 @!p0 s1  }
0x1cf: {  	[bflag:$0x3] =	sbarrier.arrive $0xFFFF  }
0x1d0: {  	_ =	shalt  }

</sc_bundles>
